<compile_context>
chip_gen: v7x
topology: tpu7x:2x2x1
jax: 0.10.2.dev20260603
libtpu: 0.0.44.dev20260713+nightly
codegen_flags: <defaults>
</compile_context>

<pallas_src>
import functools
import math

import jax
import jax.numpy as jnp
import numpy as np
from jax import lax
from jax.experimental import pallas as pl
from jax.experimental.pallas import tpu as pltpu
from jax.experimental.pallas import tpu_sc as plsc

MAX_LOOPS = 100000
HIDDEN_DIM = 64
_B = 4096
_T = 200
_HALF = HIDDEN_DIM // 2


def _make_pe_np(max_loops: int, hidden_dim: int) -> np.ndarray:
    position = np.arange(0, max_loops, dtype=np.float32)[:, None]
    div_term = np.exp(
        np.arange(0, hidden_dim, 2, dtype=np.float32)
        * (-math.log(10000.0) / hidden_dim)
    )
    pe = np.zeros((max_loops, hidden_dim), dtype=np.float32)
    pe[:, 0::2] = np.sin(position * div_term)
    pe[:, 1::2] = np.cos(position * div_term)
    return pe


_PE_T = np.ascontiguousarray(_make_pe_np(MAX_LOOPS, HIDDEN_DIM).T).astype(
    jnp.bfloat16
)

_A_BLK = 8192


def _pack_body(t_ref, p_ref, o_ref):
    fused = t_ref[...] + p_ref[...].astype(jnp.float32)
    lo = jax.lax.bitcast_convert_type(
        fused[:_HALF, :].astype(jnp.bfloat16), jnp.uint16
    ).astype(jnp.uint32)
    hi = jax.lax.bitcast_convert_type(
        fused[_HALF:, :].astype(jnp.bfloat16), jnp.uint16
    ).astype(jnp.uint32)
    o_ref[...] = (lo | (hi << 16)).astype(jnp.int32)


def _pack_table_t(table_t):
    grid = (MAX_LOOPS + _A_BLK - 1) // _A_BLK
    return pl.pallas_call(
        _pack_body,
        grid=(grid,),
        in_specs=[
            pl.BlockSpec((HIDDEN_DIM, _A_BLK), lambda i: (0, i)),
            pl.BlockSpec((HIDDEN_DIM, _A_BLK), lambda i: (0, i)),
        ],
        out_specs=pl.BlockSpec((_HALF, _A_BLK), lambda i: (0, i)),
        out_shape=jax.ShapeDtypeStruct((_HALF, MAX_LOOPS), jnp.int32),
    )(table_t, _PE_T)


_L = 16


def _gather_t(packed, idx_t):
    mesh = plsc.VectorSubcoreMesh(core_axis_name="c", subcore_axis_name="s")

    @functools.partial(
        pl.kernel,
        out_type=jax.ShapeDtypeStruct((_T, HIDDEN_DIM, _B), jnp.float32),
        mesh=mesh,
        scratch_types=[
            pltpu.VMEM((MAX_LOOPS,), jnp.int32),
            pltpu.VMEM((2, _B), jnp.int32),
            pltpu.VMEM((2, 2, _B), jnp.float32),
            pltpu.SemaphoreType.DMA((2,)),
            pltpu.SemaphoreType.DMA((2, 2)),
        ],
        compiler_params=pltpu.CompilerParams(
            use_tc_tiling_on_sc=True, needs_layout_passes=False
        ),
    )
    def k(pack_hbm, idx_hbm, out_hbm, frow, idxv, obuf, sin, sout):
        wid = lax.axis_index("s") * 2 + lax.axis_index("c")
        pltpu.sync_copy(pack_hbm.at[wid], frow)
        pltpu.async_copy(idx_hbm.at[0], idxv.at[0], sin.at[0])

        def tbody(t, carry):
            cur = lax.rem(t, 2)
            nxt = 1 - cur

            @pl.when(t + 1 < _T)
            def _():
                pltpu.async_copy(idx_hbm.at[t + 1], idxv.at[nxt], sin.at[nxt])

            pltpu.make_async_copy(idx_hbm.at[t], idxv.at[cur], sin.at[cur]).wait()

            @pl.when(t >= 2)
            def _():
                pltpu.make_async_copy(
                    obuf.at[cur, 0], out_hbm.at[t - 2, wid], sout.at[cur, 0]
                ).wait()
                pltpu.make_async_copy(
                    obuf.at[cur, 1], out_hbm.at[t - 2, wid + _HALF], sout.at[cur, 1]
                ).wait()

            @plsc.parallel_loop(0, _B // _L, unroll=16)
            def _(g):
                o = g * _L
                vi = jnp.minimum(idxv[cur, pl.ds(o, _L)], MAX_LOOPS - 1)
                v = plsc.load_gather(frow, [vi])
                obuf[cur, 0, pl.ds(o, _L)] = plsc.bitcast(v << 16, jnp.float32)
                obuf[cur, 1, pl.ds(o, _L)] = plsc.bitcast(
                    v & jnp.int32(-65536), jnp.float32
                )

            pltpu.async_copy(obuf.at[cur, 0], out_hbm.at[t, wid], sout.at[cur, 0])
            pltpu.async_copy(
                obuf.at[cur, 1], out_hbm.at[t, wid + _HALF], sout.at[cur, 1]
            )
            return carry

        lax.fori_loop(0, _T, tbody, 0)
        for tt in (_T - 2, _T - 1):
            pltpu.make_async_copy(
                obuf.at[tt % 2, 0], out_hbm.at[tt, wid], sout.at[tt % 2, 0]
            ).wait()
            pltpu.make_async_copy(
                obuf.at[tt % 2, 1], out_hbm.at[tt, wid + _HALF], sout.at[tt % 2, 1]
            ).wait()

    return k(packed, idx_t)


def kernel(loop_idx, embedding_table):
    idx_t = loop_idx.T

    table_t = embedding_table.T
    packed = _pack_table_t(table_t)
    out_t = _gather_t(packed, idx_t)
    return jnp.transpose(out_t, (2, 0, 1))

# --- scband reference (transcript-rebuilt; emitter-appended) ---
"""Pipeline reference for scband-loop-embedding-61546881351932 (READ-ONLY COPY).

The authoritative reference and input builder live on the scoring server;
editing this copy changes nothing except your own understanding.
"""

import jax, jax.numpy as jnp
import numpy as np
import math

MAX_LOOPS = 100000
HIDDEN_DIM = 64


def _make_pe(max_loops, hidden_dim):
    position = jnp.arange(0, max_loops, dtype=jnp.float32)[:, None]
    div_term = jnp.exp(jnp.arange(0, hidden_dim, 2, dtype=jnp.float32) * (-math.log(10000.0) / hidden_dim))
    pe = jnp.zeros((max_loops, hidden_dim), dtype=jnp.float32)
    pe = pe.at[:, 0::2].set(jnp.sin(position * div_term))
    pe = pe.at[:, 1::2].set(jnp.cos(position * div_term))
    return pe


def setup_inputs(seed: int = 0) -> dict:
    key = jax.random.key(seed)
    k1, k2 = jax.random.split(key)
    loop_idx = jax.random.randint(k1, (4096, 200), 0, MAX_LOOPS, dtype=jnp.int32)
    # learned embedding table (nn.Embed param), normal init
    embedding_table = jax.random.normal(k2, (MAX_LOOPS, HIDDEN_DIM), dtype=jnp.float32) * 0.02
    return {"loop_idx": loop_idx, "embedding_table": embedding_table}


def reference(loop_idx, embedding_table):
    idx = jnp.minimum(loop_idx, MAX_LOOPS - 1)
    pe = _make_pe(MAX_LOOPS, HIDDEN_DIM)
    learned = jnp.take(embedding_table, idx, axis=0)
    fixed = jnp.take(pe, idx, axis=0)
    return learned + fixed

if __name__ == "__main__":
    import jax
    _d = setup_inputs()
    print(jax.jit(kernel)(*tuple(_d.values())))

</pallas_src>

<mosaic_0001>
#map = affine_map<(d0, d1) -> (0, 0)>
#map1 = affine_map<(d0, d1) -> (0, 0, 0)>
module attributes {stable_mosaic.version = 14 : i64} {
  func.func @k(%arg0: i32, %arg1: i32, %arg2: memref<32x100000xi32, #tpu.memory_space<hbm>>, %arg3: memref<200x4096xi32, #tpu.memory_space<hbm>>, %arg4: memref<200x64x4096xf32, #tpu.memory_space<hbm>>, %arg5: memref<100000xi32, #tpu.memory_space<vmem>>, %arg6: memref<2x4096xi32, #tpu.memory_space<vmem>>, %arg7: memref<2x2x4096xf32, #tpu.memory_space<vmem>>, %arg8: memref<2x!tpu.dma_semaphore, #tpu.memory_space<semaphore_mem>>, %arg9: memref<2x2x!tpu.dma_semaphore, #tpu.memory_space<semaphore_mem>>) attributes {dimension_semantics = [#tpu.dimension_semantics<core_parallel>, #tpu.dimension_semantics<subcore_parallel>], iteration_bounds = array<i64: 2, 16>, scalar_prefetch = 0 : i64, scratch_operands = 5 : i64, tpu.core_type = #tpu.core_type<sc_vector_subcore>, window_params = [{transform_indices = #map}, {transform_indices = #map}, {transform_indices = #map1}]} {
    %mul3A = arith.constant 2 : i32
    %mul3A_0 = arith.muli %arg1, %mul3A : i32
    %add3A = arith.addi %mul3A_0, %arg0 : i32
    "tpu.region"() ({
      %run_scoped3A = tpu.sem_alloc : memref<!tpu.dma_semaphore, #tpu.memory_space<semaphore_mem>>
      %dma_start3A_101 = arith.constant 0 : i32
      %dma_start3A_102 = tpu.memref_slice %arg2[%add3A, %dma_start3A_101] : memref<32x100000xi32, #tpu.memory_space<hbm>> -> memref<1x100000xi32, #tpu.memory_space<hbm>>
      %dma_start3A_103 = tpu.memref_squeeze %dma_start3A_102 : memref<1x100000xi32, #tpu.memory_space<hbm>> -> memref<100000xi32, #tpu.memory_space<hbm>>
      %dma_start3A_104 = arith.constant 0 : i32
      %dma_start3A_105 = tpu.memref_slice %arg2[%add3A, %dma_start3A_104] : memref<32x100000xi32, #tpu.memory_space<hbm>> -> memref<1x100000xi32, #tpu.memory_space<hbm>>
      %dma_start3A_106 = tpu.memref_squeeze %dma_start3A_105 : memref<1x100000xi32, #tpu.memory_space<hbm>> -> memref<100000xi32, #tpu.memory_space<hbm>>
      tpu.enqueue_dma source(%dma_start3A_106 : memref<100000xi32, #tpu.memory_space<hbm>>) target(%arg5 : memref<100000xi32, #tpu.memory_space<vmem>>) target_semaphore(%run_scoped3A : memref<!tpu.dma_semaphore, #tpu.memory_space<semaphore_mem>>)
      %dma_wait3A_107 = arith.constant 0 : i32
      %dma_wait3A_108 = tpu.memref_slice %arg2[%add3A, %dma_wait3A_107] : memref<32x100000xi32, #tpu.memory_space<hbm>> -> memref<1x100000xi32, #tpu.memory_space<hbm>>
      %dma_wait3A_109 = tpu.memref_squeeze %dma_wait3A_108 : memref<1x100000xi32, #tpu.memory_space<hbm>> -> memref<100000xi32, #tpu.memory_space<hbm>>
      %dma_wait3A_110 = arith.constant 0 : i32
      %dma_wait3A_111 = tpu.memref_slice %arg2[%add3A, %dma_wait3A_110] : memref<32x100000xi32, #tpu.memory_space<hbm>> -> memref<1x100000xi32, #tpu.memory_space<hbm>>
      %dma_wait3A_112 = tpu.memref_squeeze %dma_wait3A_111 : memref<1x100000xi32, #tpu.memory_space<hbm>> -> memref<100000xi32, #tpu.memory_space<hbm>>
      tpu.wait_dma2 semaphore(%run_scoped3A : memref<!tpu.dma_semaphore, #tpu.memory_space<semaphore_mem>>) src(%dma_wait3A_112 : memref<100000xi32, #tpu.memory_space<hbm>>) dst(%arg5 : memref<100000xi32, #tpu.memory_space<vmem>>)
      tpu.yield
    }) : () -> ()
    %dma_start3A = arith.constant 0 : i32
    %dma_start3A_1 = arith.constant 0 : i32
    %dma_start3A_2 = arith.constant 0 : i32
    %dma_start3A_3 = arith.constant 0 : i32
    %dma_start3A_4 = tpu.memref_slice %arg6[%dma_start3A_1, %dma_start3A_3] : memref<2x4096xi32, #tpu.memory_space<vmem>> -> memref<1x4096xi32, #tpu.memory_space<vmem>>
    %dma_start3A_5 = tpu.memref_squeeze %dma_start3A_4 : memref<1x4096xi32, #tpu.memory_space<vmem>> -> memref<4096xi32, #tpu.memory_space<vmem>>
    %dma_start3A_6 = arith.constant 0 : i32
    %dma_start3A_7 = tpu.memref_slice %arg3[%dma_start3A, %dma_start3A_6] : memref<200x4096xi32, #tpu.memory_space<hbm>> -> memref<1x4096xi32, #tpu.memory_space<hbm>>
    %dma_start3A_8 = tpu.memref_squeeze %dma_start3A_7 : memref<1x4096xi32, #tpu.memory_space<hbm>> -> memref<4096xi32, #tpu.memory_space<hbm>>
    %dma_start3A_9 = tpu.memref_slice %arg8[%dma_start3A_2] : memref<2x!tpu.dma_semaphore, #tpu.memory_space<semaphore_mem>> -> memref<1x!tpu.dma_semaphore, #tpu.memory_space<semaphore_mem>>
    %dma_start3A_10 = tpu.memref_squeeze %dma_start3A_9 : memref<1x!tpu.dma_semaphore, #tpu.memory_space<semaphore_mem>> -> memref<!tpu.dma_semaphore, #tpu.memory_space<semaphore_mem>>
    %dma_start3A_11 = arith.constant 0 : i32
    %dma_start3A_12 = tpu.memref_slice %arg6[%dma_start3A_1, %dma_start3A_11] : memref<2x4096xi32, #tpu.memory_space<vmem>> -> memref<1x4096xi32, #tpu.memory_space<vmem>>
    %dma_start3A_13 = tpu.memref_squeeze %dma_start3A_12 : memref<1x4096xi32, #tpu.memory_space<vmem>> -> memref<4096xi32, #tpu.memory_space<vmem>>
    %dma_start3A_14 = arith.constant 0 : i32
    %dma_start3A_15 = tpu.memref_slice %arg3[%dma_start3A, %dma_start3A_14] : memref<200x4096xi32, #tpu.memory_space<hbm>> -> memref<1x4096xi32, #tpu.memory_space<hbm>>
    %dma_start3A_16 = tpu.memref_squeeze %dma_start3A_15 : memref<1x4096xi32, #tpu.memory_space<hbm>> -> memref<4096xi32, #tpu.memory_space<hbm>>
    tpu.enqueue_dma source(%dma_start3A_16 : memref<4096xi32, #tpu.memory_space<hbm>>) target(%dma_start3A_13 : memref<4096xi32, #tpu.memory_space<vmem>>) target_semaphore(%dma_start3A_10 : memref<!tpu.dma_semaphore, #tpu.memory_space<semaphore_mem>>)
    %scan3A = arith.constant 0 : i32
    %scan3A_17 = arith.constant 0 : i32
    %scan3A_18 = arith.constant 200 : i32
    %scan3A_19 = arith.addi %scan3A_17, %scan3A_18 : i32
    %scan3A_20 = arith.constant 1 : i32
    scf.for %scan3A_101 = %scan3A_17 to %scan3A_19 step %scan3A_20  : i32 {
      %rem3A = arith.constant 2 : i32
      %rem3A_102 = arith.remsi %scan3A_101, %rem3A : i32
      %sub3A = arith.constant 1 : i32
      %sub3A_103 = arith.subi %sub3A, %rem3A_102 : i32
      %add3A_104 = arith.constant 1 : i32
      %add3A_105 = arith.addi %scan3A_101, %add3A_104 : i32
      %lt3A = arith.constant 200 : i32
      %lt3A_106 = arith.cmpi slt, %add3A_105, %lt3A : i32
      %convert_element_type3A = arith.extui %lt3A_106 : i1 to i32
      %cond3A = arith.constant 0 : i32
      %cond3A_107 = arith.cmpi ne, %convert_element_type3A, %cond3A : i32
      scf.if %cond3A_107 {
        %add3A_162 = arith.constant 1 : i32
        %add3A_163 = arith.addi %scan3A_101, %add3A_162 : i32
        %dma_start3A_164 = arith.constant 0 : i32
        %dma_start3A_165 = tpu.memref_slice %arg6[%sub3A_103, %dma_start3A_164] : memref<2x4096xi32, #tpu.memory_space<vmem>> -> memref<1x4096xi32, #tpu.memory_space<vmem>>
        %dma_start3A_166 = tpu.memref_squeeze %dma_start3A_165 : memref<1x4096xi32, #tpu.memory_space<vmem>> -> memref<4096xi32, #tpu.memory_space<vmem>>
        %dma_start3A_167 = arith.constant 0 : i32
        %dma_start3A_168 = tpu.memref_slice %arg3[%add3A_163, %dma_start3A_167] : memref<200x4096xi32, #tpu.memory_space<hbm>> -> memref<1x4096xi32, #tpu.memory_space<hbm>>
        %dma_start3A_169 = tpu.memref_squeeze %dma_start3A_168 : memref<1x4096xi32, #tpu.memory_space<hbm>> -> memref<4096xi32, #tpu.memory_space<hbm>>
        %dma_start3A_170 = tpu.memref_slice %arg8[%sub3A_103] : memref<2x!tpu.dma_semaphore, #tpu.memory_space<semaphore_mem>> -> memref<1x!tpu.dma_semaphore, #tpu.memory_space<semaphore_mem>>
        %dma_start3A_171 = tpu.memref_squeeze %dma_start3A_170 : memref<1x!tpu.dma_semaphore, #tpu.memory_space<semaphore_mem>> -> memref<!tpu.dma_semaphore, #tpu.memory_space<semaphore_mem>>
        %dma_start3A_172 = arith.constant 0 : i32
        %dma_start3A_173 = tpu.memref_slice %arg6[%sub3A_103, %dma_start3A_172] : memref<2x4096xi32, #tpu.memory_space<vmem>> -> memref<1x4096xi32, #tpu.memory_space<vmem>>
        %dma_start3A_174 = tpu.memref_squeeze %dma_start3A_173 : memref<1x4096xi32, #tpu.memory_space<vmem>> -> memref<4096xi32, #tpu.memory_space<vmem>>
        %dma_start3A_175 = arith.constant 0 : i32
        %dma_start3A_176 = tpu.memref_slice %arg3[%add3A_163, %dma_start3A_175] : memref<200x4096xi32, #tpu.memory_space<hbm>> -> memref<1x4096xi32, #tpu.memory_space<hbm>>
        %dma_start3A_177 = tpu.memref_squeeze %dma_start3A_176 : memref<1x4096xi32, #tpu.memory_space<hbm>> -> memref<4096xi32, #tpu.memory_space<hbm>>
        tpu.enqueue_dma source(%dma_start3A_177 : memref<4096xi32, #tpu.memory_space<hbm>>) target(%dma_start3A_174 : memref<4096xi32, #tpu.memory_space<vmem>>) target_semaphore(%dma_start3A_171 : memref<!tpu.dma_semaphore, #tpu.memory_space<semaphore_mem>>)
      } else {
      }
      %dma_wait3A_108 = arith.constant 0 : i32
      %dma_wait3A_109 = tpu.memref_slice %arg6[%rem3A_102, %dma_wait3A_108] : memref<2x4096xi32, #tpu.memory_space<vmem>> -> memref<1x4096xi32, #tpu.memory_space<vmem>>
      %dma_wait3A_110 = tpu.memref_squeeze %dma_wait3A_109 : memref<1x4096xi32, #tpu.memory_space<vmem>> -> memref<4096xi32, #tpu.memory_space<vmem>>
      %dma_wait3A_111 = arith.constant 0 : i32
      %dma_wait3A_112 = tpu.memref_slice %arg3[%scan3A_101, %dma_wait3A_111] : memref<200x4096xi32, #tpu.memory_space<hbm>> -> memref<1x4096xi32, #tpu.memory_space<hbm>>
      %dma_wait3A_113 = tpu.memref_squeeze %dma_wait3A_112 : memref<1x4096xi32, #tpu.memory_space<hbm>> -> memref<4096xi32, #tpu.memory_space<hbm>>
      %dma_wait3A_114 = tpu.memref_slice %arg8[%rem3A_102] : memref<2x!tpu.dma_semaphore, #tpu.memory_space<semaphore_mem>> -> memref<1x!tpu.dma_semaphore, #tpu.memory_space<semaphore_mem>>
      %dma_wait3A_115 = tpu.memref_squeeze %dma_wait3A_114 : memref<1x!tpu.dma_semaphore, #tpu.memory_space<semaphore_mem>> -> memref<!tpu.dma_semaphore, #tpu.memory_space<semaphore_mem>>
      %dma_wait3A_116 = arith.constant 0 : i32
      %dma_wait3A_117 = tpu.memref_slice %arg6[%rem3A_102, %dma_wait3A_116] : memref<2x4096xi32, #tpu.memory_space<vmem>> -> memref<1x4096xi32, #tpu.memory_space<vmem>>
      %dma_wait3A_118 = tpu.memref_squeeze %dma_wait3A_117 : memref<1x4096xi32, #tpu.memory_space<vmem>> -> memref<4096xi32, #tpu.memory_space<vmem>>
      %dma_wait3A_119 = arith.constant 0 : i32
      %dma_wait3A_120 = tpu.memref_slice %arg3[%scan3A_101, %dma_wait3A_119] : memref<200x4096xi32, #tpu.memory_space<hbm>> -> memref<1x4096xi32, #tpu.memory_space<hbm>>
      %dma_wait3A_121 = tpu.memref_squeeze %dma_wait3A_120 : memref<1x4096xi32, #tpu.memory_space<hbm>> -> memref<4096xi32, #tpu.memory_space<hbm>>
      tpu.wait_dma2 semaphore(%dma_wait3A_115 : memref<!tpu.dma_semaphore, #tpu.memory_space<semaphore_mem>>) src(%dma_wait3A_121 : memref<4096xi32, #tpu.memory_space<hbm>>) dst(%dma_wait3A_118 : memref<4096xi32, #tpu.memory_space<vmem>>)
      %ge3A = arith.constant 2 : i32
      %ge3A_122 = arith.cmpi sge, %scan3A_101, %ge3A : i32
      %convert_element_type3A_123 = arith.extui %ge3A_122 : i1 to i32
      %cond3A_124 = arith.constant 0 : i32
      %cond3A_125 = arith.cmpi ne, %convert_element_type3A_123, %cond3A_124 : i32
      scf.if %cond3A_125 {
        %sub3A_162 = arith.constant 2 : i32
        %sub3A_163 = arith.subi %scan3A_101, %sub3A_162 : i32
        %dma_wait3A_164 = arith.constant 0 : i32
        %dma_wait3A_165 = arith.constant 0 : i32
        %dma_wait3A_166 = arith.constant 0 : i32
        %dma_wait3A_167 = tpu.memref_slice %arg7[%rem3A_102, %dma_wait3A_164, %dma_wait3A_166] : memref<2x2x4096xf32, #tpu.memory_space<vmem>> -> memref<1x1x4096xf32, #tpu.memory_space<vmem>>
        %dma_wait3A_168 = tpu.memref_squeeze %dma_wait3A_167 : memref<1x1x4096xf32, #tpu.memory_space<vmem>> -> memref<4096xf32, #tpu.memory_space<vmem>>
        %dma_wait3A_169 = arith.constant 0 : i32
        %dma_wait3A_170 = tpu.memref_slice %arg4[%sub3A_163, %add3A, %dma_wait3A_169] : memref<200x64x4096xf32, #tpu.memory_space<hbm>> -> memref<1x1x4096xf32, #tpu.memory_space<hbm>>
        %dma_wait3A_171 = tpu.memref_squeeze %dma_wait3A_170 : memref<1x1x4096xf32, #tpu.memory_space<hbm>> -> memref<4096xf32, #tpu.memory_space<hbm>>
        %dma_wait3A_172 = tpu.memref_slice %arg9[%rem3A_102, %dma_wait3A_165] : memref<2x2x!tpu.dma_semaphore, #tpu.memory_space<semaphore_mem>> -> memref<1x1x!tpu.dma_semaphore, #tpu.memory_space<semaphore_mem>>
        %dma_wait3A_173 = tpu.memref_squeeze %dma_wait3A_172 : memref<1x1x!tpu.dma_semaphore, #tpu.memory_space<semaphore_mem>> -> memref<!tpu.dma_semaphore, #tpu.memory_space<semaphore_mem>>
        %dma_wait3A_174 = arith.constant 0 : i32
        %dma_wait3A_175 = tpu.memref_slice %arg4[%sub3A_163, %add3A, %dma_wait3A_174] : memref<200x64x4096xf32, #tpu.memory_space<hbm>> -> memref<1x1x4096xf32, #tpu.memory_space<hbm>>
        %dma_wait3A_176 = tpu.memref_squeeze %dma_wait3A_175 : memref<1x1x4096xf32, #tpu.memory_space<hbm>> -> memref<4096xf32, #tpu.memory_space<hbm>>
        %dma_wait3A_177 = arith.constant 0 : i32
        %dma_wait3A_178 = tpu.memref_slice %arg7[%rem3A_102, %dma_wait3A_164, %dma_wait3A_177] : memref<2x2x4096xf32, #tpu.memory_space<vmem>> -> memref<1x1x4096xf32, #tpu.memory_space<vmem>>
        %dma_wait3A_179 = tpu.memref_squeeze %dma_wait3A_178 : memref<1x1x4096xf32, #tpu.memory_space<vmem>> -> memref<4096xf32, #tpu.memory_space<vmem>>
        tpu.wait_dma2 semaphore(%dma_wait3A_173 : memref<!tpu.dma_semaphore, #tpu.memory_space<semaphore_mem>>) src(%dma_wait3A_179 : memref<4096xf32, #tpu.memory_space<vmem>>) dst(%dma_wait3A_176 : memref<4096xf32, #tpu.memory_space<hbm>>)
        %sub3A_180 = arith.constant 2 : i32
        %sub3A_181 = arith.subi %scan3A_101, %sub3A_180 : i32
        %add3A_182 = arith.constant 32 : i32
        %add3A_183 = arith.addi %add3A, %add3A_182 : i32
        %dma_wait3A_184 = arith.constant 1 : i32
        %dma_wait3A_185 = arith.constant 1 : i32
        %dma_wait3A_186 = arith.constant 0 : i32
        %dma_wait3A_187 = tpu.memref_slice %arg7[%rem3A_102, %dma_wait3A_184, %dma_wait3A_186] : memref<2x2x4096xf32, #tpu.memory_space<vmem>> -> memref<1x1x4096xf32, #tpu.memory_space<vmem>>
        %dma_wait3A_188 = tpu.memref_squeeze %dma_wait3A_187 : memref<1x1x4096xf32, #tpu.memory_space<vmem>> -> memref<4096xf32, #tpu.memory_space<vmem>>
        %dma_wait3A_189 = arith.constant 0 : i32
        %dma_wait3A_190 = tpu.memref_slice %arg4[%sub3A_181, %add3A_183, %dma_wait3A_189] : memref<200x64x4096xf32, #tpu.memory_space<hbm>> -> memref<1x1x4096xf32, #tpu.memory_space<hbm>>
        %dma_wait3A_191 = tpu.memref_squeeze %dma_wait3A_190 : memref<1x1x4096xf32, #tpu.memory_space<hbm>> -> memref<4096xf32, #tpu.memory_space<hbm>>
        %dma_wait3A_192 = tpu.memref_slice %arg9[%rem3A_102, %dma_wait3A_185] : memref<2x2x!tpu.dma_semaphore, #tpu.memory_space<semaphore_mem>> -> memref<1x1x!tpu.dma_semaphore, #tpu.memory_space<semaphore_mem>>
        %dma_wait3A_193 = tpu.memref_squeeze %dma_wait3A_192 : memref<1x1x!tpu.dma_semaphore, #tpu.memory_space<semaphore_mem>> -> memref<!tpu.dma_semaphore, #tpu.memory_space<semaphore_mem>>
        %dma_wait3A_194 = arith.constant 0 : i32
        %dma_wait3A_195 = tpu.memref_slice %arg4[%sub3A_181, %add3A_183, %dma_wait3A_194] : memref<200x64x4096xf32, #tpu.memory_space<hbm>> -> memref<1x1x4096xf32, #tpu.memory_space<hbm>>
        %dma_wait3A_196 = tpu.memref_squeeze %dma_wait3A_195 : memref<1x1x4096xf32, #tpu.memory_space<hbm>> -> memref<4096xf32, #tpu.memory_space<hbm>>
        %dma_wait3A_197 = arith.constant 0 : i32
        %dma_wait3A_198 = tpu.memref_slice %arg7[%rem3A_102, %dma_wait3A_184, %dma_wait3A_197] : memref<2x2x4096xf32, #tpu.memory_space<vmem>> -> memref<1x1x4096xf32, #tpu.memory_space<vmem>>
        %dma_wait3A_199 = tpu.memref_squeeze %dma_wait3A_198 : memref<1x1x4096xf32, #tpu.memory_space<vmem>> -> memref<4096xf32, #tpu.memory_space<vmem>>
        tpu.wait_dma2 semaphore(%dma_wait3A_193 : memref<!tpu.dma_semaphore, #tpu.memory_space<semaphore_mem>>) src(%dma_wait3A_199 : memref<4096xf32, #tpu.memory_space<vmem>>) dst(%dma_wait3A_196 : memref<4096xf32, #tpu.memory_space<hbm>>)
      } else {
      }
      %parallel_loop3A = arith.constant 0 : i32
      %parallel_loop3A_126 = arith.constant 256 : i32
      %parallel_loop3A_127 = arith.constant 1 : i32
      scf.for %parallel_loop3A_162 = %parallel_loop3A to %parallel_loop3A_126 step %parallel_loop3A_127  : i32 {
        %parallel_loop3A_163 = arith.constant 16 : i32
        %parallel_loop3A_164 = arith.muli %parallel_loop3A_162, %parallel_loop3A_163 : i32
        %parallel_loop3A_165 = arith.index_cast %rem3A_102 : i32 to index
        %parallel_loop3A_166 = arith.index_cast %parallel_loop3A_164 : i32 to index
        %parallel_loop3A_167 = tpu.vector_load %arg6[%parallel_loop3A_165, %parallel_loop3A_166] {strides = array<i32>} : memref<2x4096xi32, #tpu.memory_space<vmem>>, vector<16xi32>,
        %parallel_loop3A_168 = arith.constant 99999 : i32
        %parallel_loop3A_169 = vector.broadcast %parallel_loop3A_168 : i32 to vector<16xi32>
        %parallel_loop3A_170 = arith.minsi %parallel_loop3A_167, %parallel_loop3A_169 : vector<16xi32>
        %parallel_loop3A_171 = tpu.vector_load_idx %arg5[%parallel_loop3A_170] : memref<100000xi32, #tpu.memory_space<vmem>>[vector<16xi32>], vector<16xi32>,
        %parallel_loop3A_172 = arith.constant 16 : i32
        %parallel_loop3A_173 = vector.broadcast %parallel_loop3A_172 : i32 to vector<16xi32>
        %parallel_loop3A_174 = arith.shli %parallel_loop3A_171, %parallel_loop3A_173 : vector<16xi32>
        %parallel_loop3A_175 = vector.bitcast %parallel_loop3A_174 : vector<16xi32> to vector<16xf32>
        %parallel_loop3A_176 = arith.constant 0 : i32
        %parallel_loop3A_177 = arith.index_cast %rem3A_102 : i32 to index
        %parallel_loop3A_178 = arith.index_cast %parallel_loop3A_176 : i32 to index
        %parallel_loop3A_179 = arith.index_cast %parallel_loop3A_164 : i32 to index
        %parallel_loop3A_180 = tpu.vector_load %arg7[%parallel_loop3A_177, %parallel_loop3A_178, %parallel_loop3A_179] {strides = array<i32>} : memref<2x2x4096xf32, #tpu.memory_space<vmem>>, vector<16xf32>,
        tpu.vector_store %arg7[%parallel_loop3A_177, %parallel_loop3A_178, %parallel_loop3A_179], %parallel_loop3A_175 {strides = array<i32>} : memref<2x2x4096xf32, #tpu.memory_space<vmem>>, vector<16xf32>,
        %parallel_loop3A_181 = arith.constant -65536 : i32
        %parallel_loop3A_182 = vector.broadcast %parallel_loop3A_181 : i32 to vector<16xi32>
        %parallel_loop3A_183 = arith.andi %parallel_loop3A_171, %parallel_loop3A_182 : vector<16xi32>
        %parallel_loop3A_184 = vector.bitcast %parallel_loop3A_183 : vector<16xi32> to vector<16xf32>
        %parallel_loop3A_185 = arith.constant 1 : i32
        %parallel_loop3A_186 = arith.index_cast %rem3A_102 : i32 to index
        %parallel_loop3A_187 = arith.index_cast %parallel_loop3A_185 : i32 to index
        %parallel_loop3A_188 = arith.index_cast %parallel_loop3A_164 : i32 to index
        %parallel_loop3A_189 = tpu.vector_load %arg7[%parallel_loop3A_186, %parallel_loop3A_187, %parallel_loop3A_188] {strides = array<i32>} : memref<2x2x4096xf32, #tpu.memory_space<vmem>>, vector<16xf32>,
        tpu.vector_store %arg7[%parallel_loop3A_186, %parallel_loop3A_187, %parallel_loop3A_188], %parallel_loop3A_184 {strides = array<i32>} : memref<2x2x4096xf32, #tpu.memory_space<vmem>>, vector<16xf32>,
      } {sc.loop_unroll_factor = 16 : i64, sc.parallel_access}
      %dma_start3A_128 = arith.constant 0 : i32
      %dma_start3A_129 = arith.constant 0 : i32
      %dma_start3A_130 = arith.constant 0 : i32
      %dma_start3A_131 = tpu.memref_slice %arg7[%rem3A_102, %dma_start3A_128, %dma_start3A_130] : memref<2x2x4096xf32, #tpu.memory_space<vmem>> -> memref<1x1x4096xf32, #tpu.memory_space<vmem>>
      %dma_start3A_132 = tpu.memref_squeeze %dma_start3A_131 : memref<1x1x4096xf32, #tpu.memory_space<vmem>> -> memref<4096xf32, #tpu.memory_space<vmem>>
      %dma_start3A_133 = arith.constant 0 : i32
      %dma_start3A_134 = tpu.memref_slice %arg4[%scan3A_101, %add3A, %dma_start3A_133] : memref<200x64x4096xf32, #tpu.memory_space<hbm>> -> memref<1x1x4096xf32, #tpu.memory_space<hbm>>
      %dma_start3A_135 = tpu.memref_squeeze %dma_start3A_134 : memref<1x1x4096xf32, #tpu.memory_space<hbm>> -> memref<4096xf32, #tpu.memory_space<hbm>>
      %dma_start3A_136 = tpu.memref_slice %arg9[%rem3A_102, %dma_start3A_129] : memref<2x2x!tpu.dma_semaphore, #tpu.memory_space<semaphore_mem>> -> memref<1x1x!tpu.dma_semaphore, #tpu.memory_space<semaphore_mem>>
      %dma_start3A_137 = tpu.memref_squeeze %dma_start3A_136 : memref<1x1x!tpu.dma_semaphore, #tpu.memory_space<semaphore_mem>> -> memref<!tpu.dma_semaphore, #tpu.memory_space<semaphore_mem>>
      %dma_start3A_138 = arith.constant 0 : i32
      %dma_start3A_139 = tpu.memref_slice %arg4[%scan3A_101, %add3A, %dma_start3A_138] : memref<200x64x4096xf32, #tpu.memory_space<hbm>> -> memref<1x1x4096xf32, #tpu.memory_space<hbm>>
      %dma_start3A_140 = tpu.memref_squeeze %dma_start3A_139 : memref<1x1x4096xf32, #tpu.memory_space<hbm>> -> memref<4096xf32, #tpu.memory_space<hbm>>
      %dma_start3A_141 = arith.constant 0 : i32
      %dma_start3A_142 = tpu.memref_slice %arg7[%rem3A_102, %dma_start3A_128, %dma_start3A_141] : memref<2x2x4096xf32, #tpu.memory_space<vmem>> -> memref<1x1x4096xf32, #tpu.memory_space<vmem>>
      %dma_start3A_143 = tpu.memref_squeeze %dma_start3A_142 : memref<1x1x4096xf32, #tpu.memory_space<vmem>> -> memref<4096xf32, #tpu.memory_space<vmem>>
      tpu.enqueue_dma source(%dma_start3A_143 : memref<4096xf32, #tpu.memory_space<vmem>>) target(%dma_start3A_140 : memref<4096xf32, #tpu.memory_space<hbm>>) target_semaphore(%dma_start3A_137 : memref<!tpu.dma_semaphore, #tpu.memory_space<semaphore_mem>>)
      %add3A_144 = arith.constant 32 : i32
      %add3A_145 = arith.addi %add3A, %add3A_144 : i32
      %dma_start3A_146 = arith.constant 1 : i32
      %dma_start3A_147 = arith.constant 1 : i32
      %dma_start3A_148 = arith.constant 0 : i32
      %dma_start3A_149 = tpu.memref_slice %arg7[%rem3A_102, %dma_start3A_146, %dma_start3A_148] : memref<2x2x4096xf32, #tpu.memory_space<vmem>> -> memref<1x1x4096xf32, #tpu.memory_space<vmem>>
      %dma_start3A_150 = tpu.memref_squeeze %dma_start3A_149 : memref<1x1x4096xf32, #tpu.memory_space<vmem>> -> memref<4096xf32, #tpu.memory_space<vmem>>
      %dma_start3A_151 = arith.constant 0 : i32
      %dma_start3A_152 = tpu.memref_slice %arg4[%scan3A_101, %add3A_145, %dma_start3A_151] : memref<200x64x4096xf32, #tpu.memory_space<hbm>> -> memref<1x1x4096xf32, #tpu.memory_space<hbm>>
      %dma_start3A_153 = tpu.memref_squeeze %dma_start3A_152 : memref<1x1x4096xf32, #tpu.memory_space<hbm>> -> memref<4096xf32, #tpu.memory_space<hbm>>
      %dma_start3A_154 = tpu.memref_slice %arg9[%rem3A_102, %dma_start3A_147] : memref<2x2x!tpu.dma_semaphore, #tpu.memory_space<semaphore_mem>> -> memref<1x1x!tpu.dma_semaphore, #tpu.memory_space<semaphore_mem>>
      %dma_start3A_155 = tpu.memref_squeeze %dma_start3A_154 : memref<1x1x!tpu.dma_semaphore, #tpu.memory_space<semaphore_mem>> -> memref<!tpu.dma_semaphore, #tpu.memory_space<semaphore_mem>>
      %dma_start3A_156 = arith.constant 0 : i32
      %dma_start3A_157 = tpu.memref_slice %arg4[%scan3A_101, %add3A_145, %dma_start3A_156] : memref<200x64x4096xf32, #tpu.memory_space<hbm>> -> memref<1x1x4096xf32, #tpu.memory_space<hbm>>
      %dma_start3A_158 = tpu.memref_squeeze %dma_start3A_157 : memref<1x1x4096xf32, #tpu.memory_space<hbm>> -> memref<4096xf32, #tpu.memory_space<hbm>>
      %dma_start3A_159 = arith.constant 0 : i32
      %dma_start3A_160 = tpu.memref_slice %arg7[%rem3A_102, %dma_start3A_146, %dma_start3A_159] : memref<2x2x4096xf32, #tpu.memory_space<vmem>> -> memref<1x1x4096xf32, #tpu.memory_space<vmem>>
      %dma_start3A_161 = tpu.memref_squeeze %dma_start3A_160 : memref<1x1x4096xf32, #tpu.memory_space<vmem>> -> memref<4096xf32, #tpu.memory_space<vmem>>
      tpu.enqueue_dma source(%dma_start3A_161 : memref<4096xf32, #tpu.memory_space<vmem>>) target(%dma_start3A_158 : memref<4096xf32, #tpu.memory_space<hbm>>) target_semaphore(%dma_start3A_155 : memref<!tpu.dma_semaphore, #tpu.memory_space<semaphore_mem>>)
    }
    %scan3A_21 = arith.constant 200 : i32
    %dma_wait3A = arith.constant 0 : i32
    %dma_wait3A_22 = arith.constant 0 : i32
    %dma_wait3A_23 = arith.constant 198 : i32
    %dma_wait3A_24 = arith.constant 0 : i32
    %dma_wait3A_25 = arith.constant 0 : i32
    %dma_wait3A_26 = arith.constant 0 : i32
    %dma_wait3A_27 = tpu.memref_slice %arg7[%dma_wait3A, %dma_wait3A_22, %dma_wait3A_26] : memref<2x2x4096xf32, #tpu.memory_space<vmem>> -> memref<1x1x4096xf32, #tpu.memory_space<vmem>>
    %dma_wait3A_28 = tpu.memref_squeeze %dma_wait3A_27 : memref<1x1x4096xf32, #tpu.memory_space<vmem>> -> memref<4096xf32, #tpu.memory_space<vmem>>
    %dma_wait3A_29 = arith.constant 0 : i32
    %dma_wait3A_30 = tpu.memref_slice %arg4[%dma_wait3A_23, %add3A, %dma_wait3A_29] : memref<200x64x4096xf32, #tpu.memory_space<hbm>> -> memref<1x1x4096xf32, #tpu.memory_space<hbm>>
    %dma_wait3A_31 = tpu.memref_squeeze %dma_wait3A_30 : memref<1x1x4096xf32, #tpu.memory_space<hbm>> -> memref<4096xf32, #tpu.memory_space<hbm>>
    %dma_wait3A_32 = tpu.memref_slice %arg9[%dma_wait3A_24, %dma_wait3A_25] : memref<2x2x!tpu.dma_semaphore, #tpu.memory_space<semaphore_mem>> -> memref<1x1x!tpu.dma_semaphore, #tpu.memory_space<semaphore_mem>>
    %dma_wait3A_33 = tpu.memref_squeeze %dma_wait3A_32 : memref<1x1x!tpu.dma_semaphore, #tpu.memory_space<semaphore_mem>> -> memref<!tpu.dma_semaphore, #tpu.memory_space<semaphore_mem>>
    %dma_wait3A_34 = arith.constant 0 : i32
    %dma_wait3A_35 = tpu.memref_slice %arg4[%dma_wait3A_23, %add3A, %dma_wait3A_34] : memref<200x64x4096xf32, #tpu.memory_space<hbm>> -> memref<1x1x4096xf32, #tpu.memory_space<hbm>>
    %dma_wait3A_36 = tpu.memref_squeeze %dma_wait3A_35 : memref<1x1x4096xf32, #tpu.memory_space<hbm>> -> memref<4096xf32, #tpu.memory_space<hbm>>
    %dma_wait3A_37 = arith.constant 0 : i32
    %dma_wait3A_38 = tpu.memref_slice %arg7[%dma_wait3A, %dma_wait3A_22, %dma_wait3A_37] : memref<2x2x4096xf32, #tpu.memory_space<vmem>> -> memref<1x1x4096xf32, #tpu.memory_space<vmem>>
    %dma_wait3A_39 = tpu.memref_squeeze %dma_wait3A_38 : memref<1x1x4096xf32, #tpu.memory_space<vmem>> -> memref<4096xf32, #tpu.memory_space<vmem>>
    tpu.wait_dma2 semaphore(%dma_wait3A_33 : memref<!tpu.dma_semaphore, #tpu.memory_space<semaphore_mem>>) src(%dma_wait3A_39 : memref<4096xf32, #tpu.memory_space<vmem>>) dst(%dma_wait3A_36 : memref<4096xf32, #tpu.memory_space<hbm>>)
    %add3A_40 = arith.constant 32 : i32
    %add3A_41 = arith.addi %add3A, %add3A_40 : i32
    %dma_wait3A_42 = arith.constant 0 : i32
    %dma_wait3A_43 = arith.constant 1 : i32
    %dma_wait3A_44 = arith.constant 198 : i32
    %dma_wait3A_45 = arith.constant 0 : i32
    %dma_wait3A_46 = arith.constant 1 : i32
    %dma_wait3A_47 = arith.constant 0 : i32
    %dma_wait3A_48 = tpu.memref_slice %arg7[%dma_wait3A_42, %dma_wait3A_43, %dma_wait3A_47] : memref<2x2x4096xf32, #tpu.memory_space<vmem>> -> memref<1x1x4096xf32, #tpu.memory_space<vmem>>
    %dma_wait3A_49 = tpu.memref_squeeze %dma_wait3A_48 : memref<1x1x4096xf32, #tpu.memory_space<vmem>> -> memref<4096xf32, #tpu.memory_space<vmem>>
    %dma_wait3A_50 = arith.constant 0 : i32
    %dma_wait3A_51 = tpu.memref_slice %arg4[%dma_wait3A_44, %add3A_41, %dma_wait3A_50] : memref<200x64x4096xf32, #tpu.memory_space<hbm>> -> memref<1x1x4096xf32, #tpu.memory_space<hbm>>
    %dma_wait3A_52 = tpu.memref_squeeze %dma_wait3A_51 : memref<1x1x4096xf32, #tpu.memory_space<hbm>> -> memref<4096xf32, #tpu.memory_space<hbm>>
    %dma_wait3A_53 = tpu.memref_slice %arg9[%dma_wait3A_45, %dma_wait3A_46] : memref<2x2x!tpu.dma_semaphore, #tpu.memory_space<semaphore_mem>> -> memref<1x1x!tpu.dma_semaphore, #tpu.memory_space<semaphore_mem>>
    %dma_wait3A_54 = tpu.memref_squeeze %dma_wait3A_53 : memref<1x1x!tpu.dma_semaphore, #tpu.memory_space<semaphore_mem>> -> memref<!tpu.dma_semaphore, #tpu.memory_space<semaphore_mem>>
    %dma_wait3A_55 = arith.constant 0 : i32
    %dma_wait3A_56 = tpu.memref_slice %arg4[%dma_wait3A_44, %add3A_41, %dma_wait3A_55] : memref<200x64x4096xf32, #tpu.memory_space<hbm>> -> memref<1x1x4096xf32, #tpu.memory_space<hbm>>
    %dma_wait3A_57 = tpu.memref_squeeze %dma_wait3A_56 : memref<1x1x4096xf32, #tpu.memory_space<hbm>> -> memref<4096xf32, #tpu.memory_space<hbm>>
    %dma_wait3A_58 = arith.constant 0 : i32
    %dma_wait3A_59 = tpu.memref_slice %arg7[%dma_wait3A_42, %dma_wait3A_43, %dma_wait3A_58] : memref<2x2x4096xf32, #tpu.memory_space<vmem>> -> memref<1x1x4096xf32, #tpu.memory_space<vmem>>
    %dma_wait3A_60 = tpu.memref_squeeze %dma_wait3A_59 : memref<1x1x4096xf32, #tpu.memory_space<vmem>> -> memref<4096xf32, #tpu.memory_space<vmem>>
    tpu.wait_dma2 semaphore(%dma_wait3A_54 : memref<!tpu.dma_semaphore, #tpu.memory_space<semaphore_mem>>) src(%dma_wait3A_60 : memref<4096xf32, #tpu.memory_space<vmem>>) dst(%dma_wait3A_57 : memref<4096xf32, #tpu.memory_space<hbm>>)
    %dma_wait3A_61 = arith.constant 1 : i32
    %dma_wait3A_62 = arith.constant 0 : i32
    %dma_wait3A_63 = arith.constant 199 : i32
    %dma_wait3A_64 = arith.constant 1 : i32
    %dma_wait3A_65 = arith.constant 0 : i32
    %dma_wait3A_66 = arith.constant 0 : i32
    %dma_wait3A_67 = tpu.memref_slice %arg7[%dma_wait3A_61, %dma_wait3A_62, %dma_wait3A_66] : memref<2x2x4096xf32, #tpu.memory_space<vmem>> -> memref<1x1x4096xf32, #tpu.memory_space<vmem>>
    %dma_wait3A_68 = tpu.memref_squeeze %dma_wait3A_67 : memref<1x1x4096xf32, #tpu.memory_space<vmem>> -> memref<4096xf32, #tpu.memory_space<vmem>>
    %dma_wait3A_69 = arith.constant 0 : i32
    %dma_wait3A_70 = tpu.memref_slice %arg4[%dma_wait3A_63, %add3A, %dma_wait3A_69] : memref<200x64x4096xf32, #tpu.memory_space<hbm>> -> memref<1x1x4096xf32, #tpu.memory_space<hbm>>
    %dma_wait3A_71 = tpu.memref_squeeze %dma_wait3A_70 : memref<1x1x4096xf32, #tpu.memory_space<hbm>> -> memref<4096xf32, #tpu.memory_space<hbm>>
    %dma_wait3A_72 = tpu.memref_slice %arg9[%dma_wait3A_64, %dma_wait3A_65] : memref<2x2x!tpu.dma_semaphore, #tpu.memory_space<semaphore_mem>> -> memref<1x1x!tpu.dma_semaphore, #tpu.memory_space<semaphore_mem>>
    %dma_wait3A_73 = tpu.memref_squeeze %dma_wait3A_72 : memref<1x1x!tpu.dma_semaphore, #tpu.memory_space<semaphore_mem>> -> memref<!tpu.dma_semaphore, #tpu.memory_space<semaphore_mem>>
    %dma_wait3A_74 = arith.constant 0 : i32
    %dma_wait3A_75 = tpu.memref_slice %arg4[%dma_wait3A_63, %add3A, %dma_wait3A_74] : memref<200x64x4096xf32, #tpu.memory_space<hbm>> -> memref<1x1x4096xf32, #tpu.memory_space<hbm>>
    %dma_wait3A_76 = tpu.memref_squeeze %dma_wait3A_75 : memref<1x1x4096xf32, #tpu.memory_space<hbm>> -> memref<4096xf32, #tpu.memory_space<hbm>>
    %dma_wait3A_77 = arith.constant 0 : i32
    %dma_wait3A_78 = tpu.memref_slice %arg7[%dma_wait3A_61, %dma_wait3A_62, %dma_wait3A_77] : memref<2x2x4096xf32, #tpu.memory_space<vmem>> -> memref<1x1x4096xf32, #tpu.memory_space<vmem>>
    %dma_wait3A_79 = tpu.memref_squeeze %dma_wait3A_78 : memref<1x1x4096xf32, #tpu.memory_space<vmem>> -> memref<4096xf32, #tpu.memory_space<vmem>>
    tpu.wait_dma2 semaphore(%dma_wait3A_73 : memref<!tpu.dma_semaphore, #tpu.memory_space<semaphore_mem>>) src(%dma_wait3A_79 : memref<4096xf32, #tpu.memory_space<vmem>>) dst(%dma_wait3A_76 : memref<4096xf32, #tpu.memory_space<hbm>>)
    %add3A_80 = arith.constant 32 : i32
    %add3A_81 = arith.addi %add3A, %add3A_80 : i32
    %dma_wait3A_82 = arith.constant 1 : i32
    %dma_wait3A_83 = arith.constant 1 : i32
    %dma_wait3A_84 = arith.constant 199 : i32
    %dma_wait3A_85 = arith.constant 1 : i32
    %dma_wait3A_86 = arith.constant 1 : i32
    %dma_wait3A_87 = arith.constant 0 : i32
    %dma_wait3A_88 = tpu.memref_slice %arg7[%dma_wait3A_82, %dma_wait3A_83, %dma_wait3A_87] : memref<2x2x4096xf32, #tpu.memory_space<vmem>> -> memref<1x1x4096xf32, #tpu.memory_space<vmem>>
    %dma_wait3A_89 = tpu.memref_squeeze %dma_wait3A_88 : memref<1x1x4096xf32, #tpu.memory_space<vmem>> -> memref<4096xf32, #tpu.memory_space<vmem>>
    %dma_wait3A_90 = arith.constant 0 : i32
    %dma_wait3A_91 = tpu.memref_slice %arg4[%dma_wait3A_84, %add3A_81, %dma_wait3A_90] : memref<200x64x4096xf32, #tpu.memory_space<hbm>> -> memref<1x1x4096xf32, #tpu.memory_space<hbm>>
    %dma_wait3A_92 = tpu.memref_squeeze %dma_wait3A_91 : memref<1x1x4096xf32, #tpu.memory_space<hbm>> -> memref<4096xf32, #tpu.memory_space<hbm>>
    %dma_wait3A_93 = tpu.memref_slice %arg9[%dma_wait3A_85, %dma_wait3A_86] : memref<2x2x!tpu.dma_semaphore, #tpu.memory_space<semaphore_mem>> -> memref<1x1x!tpu.dma_semaphore, #tpu.memory_space<semaphore_mem>>
    %dma_wait3A_94 = tpu.memref_squeeze %dma_wait3A_93 : memref<1x1x!tpu.dma_semaphore, #tpu.memory_space<semaphore_mem>> -> memref<!tpu.dma_semaphore, #tpu.memory_space<semaphore_mem>>
    %dma_wait3A_95 = arith.constant 0 : i32
    %dma_wait3A_96 = tpu.memref_slice %arg4[%dma_wait3A_84, %add3A_81, %dma_wait3A_95] : memref<200x64x4096xf32, #tpu.memory_space<hbm>> -> memref<1x1x4096xf32, #tpu.memory_space<hbm>>
    %dma_wait3A_97 = tpu.memref_squeeze %dma_wait3A_96 : memref<1x1x4096xf32, #tpu.memory_space<hbm>> -> memref<4096xf32, #tpu.memory_space<hbm>>
    %dma_wait3A_98 = arith.constant 0 : i32
    %dma_wait3A_99 = tpu.memref_slice %arg7[%dma_wait3A_82, %dma_wait3A_83, %dma_wait3A_98] : memref<2x2x4096xf32, #tpu.memory_space<vmem>> -> memref<1x1x4096xf32, #tpu.memory_space<vmem>>
    %dma_wait3A_100 = tpu.memref_squeeze %dma_wait3A_99 : memref<1x1x4096xf32, #tpu.memory_space<vmem>> -> memref<4096xf32, #tpu.memory_space<vmem>>
    tpu.wait_dma2 semaphore(%dma_wait3A_94 : memref<!tpu.dma_semaphore, #tpu.memory_space<semaphore_mem>>) src(%dma_wait3A_100 : memref<4096xf32, #tpu.memory_space<vmem>>) dst(%dma_wait3A_97 : memref<4096xf32, #tpu.memory_space<hbm>>)
    return
  }
}

module attributes {stable_mosaic.version = 14 : i64} {
  func.func @_pack_body(%arg0: i32, %arg1: memref<64x8192xf32, #tpu.memory_space<vmem>>, %arg2: memref<64x8192xbf16, #tpu.memory_space<vmem>>, %arg3: memref<32x8192xi32, #tpu.memory_space<vmem>>) attributes {dimension_semantics = [#tpu.dimension_semantics<arbitrary>], iteration_bounds = array<i64: 13>, scalar_prefetch = 0 : i64, scratch_operands = 0 : i64, tpu.core_type = #tpu.core_type<tc>, window_params = [{transform_indices = @transform_0, window_bounds = array<i64: 64, 8192>}, {transform_indices = @transform_1, window_bounds = array<i64: 64, 8192>}, {transform_indices = @transform_2, window_bounds = array<i64: 32, 8192>}]} {
    %get3A = arith.constant 0 : index
    %get3A_0 = arith.constant 0 : index
    %get3A_1 = vector.load %arg1[%get3A, %get3A_0] : memref<64x8192xf32, #tpu.memory_space<vmem>>, vector<64x8192xf32>
    %get3A_2 = arith.constant 0 : index
    %get3A_3 = arith.constant 0 : index
    %get3A_4 = vector.load %arg2[%get3A_2, %get3A_3] : memref<64x8192xbf16, #tpu.memory_space<vmem>>, vector<64x8192xbf16>
    %convert_element_type3A = arith.extf %get3A_4 : vector<64x8192xbf16> to vector<64x8192xf32>
    %add3A = arith.addf %get3A_1, %convert_element_type3A : vector<64x8192xf32>
    %slice3A = vector.extract_strided_slice %add3A {offsets = [0, 0], sizes = [32, 8192], strides = [1, 1]} : vector<64x8192xf32> to vector<32x8192xf32>
    %convert_element_type3A_5 = arith.truncf %slice3A : vector<32x8192xf32> to vector<32x8192xbf16>
    %bitcast_convert_type3A = tpu.bitcast %convert_element_type3A_5 : vector<32x8192xbf16> -> vector<32x8192xi16>
    %convert_element_type3A_6 = arith.extui %bitcast_convert_type3A : vector<32x8192xi16> to vector<32x8192xi32>
    %slice3A_7 = vector.extract_strided_slice %add3A {offsets = [32, 0], sizes = [32, 8192], strides = [1, 1]} : vector<64x8192xf32> to vector<32x8192xf32>
    %convert_element_type3A_8 = arith.truncf %slice3A_7 : vector<32x8192xf32> to vector<32x8192xbf16>
    %bitcast_convert_type3A_9 = tpu.bitcast %convert_element_type3A_8 : vector<32x8192xbf16> -> vector<32x8192xi16>
    %convert_element_type3A_10 = arith.extui %bitcast_convert_type3A_9 : vector<32x8192xi16> to vector<32x8192xi32>
    %shift_left3A = arith.constant 16 : i32
    %shift_left3A_11 = vector.broadcast %shift_left3A : i32 to vector<32x8192xi32>
    %shift_left3A_12 = arith.shli %convert_element_type3A_10, %shift_left3A_11 : vector<32x8192xi32>
    %or3A = arith.ori %convert_element_type3A_6, %shift_left3A_12 : vector<32x8192xi32>
    %swap3A = arith.constant 0 : index
    %swap3A_13 = arith.constant 0 : index
    %swap3A_14 = vector.load %arg3[%swap3A, %swap3A_13] : memref<32x8192xi32, #tpu.memory_space<vmem>>, vector<32x8192xi32>
    tpu.vector_store %arg3[%swap3A, %swap3A_13], %or3A {strides = array<i32>} : memref<32x8192xi32, #tpu.memory_space<vmem>>, vector<32x8192xi32>,
    return
  }
  func.func @transform_0(%arg0: i32) -> (i32, i32) {
    %c0_i32 = arith.constant 0 : i32
    %c0_i32_0 = arith.constant 0 : i32
    return %c0_i32, %arg0 : i32, i32
  }
  func.func @transform_1(%arg0: i32) -> (i32, i32) {
    %c0_i32 = arith.constant 0 : i32
    %c0_i32_0 = arith.constant 0 : i32
    return %c0_i32, %arg0 : i32, i32
  }
  func.func @transform_2(%arg0: i32) -> (i32, i32) {
    %c0_i32 = arith.constant 0 : i32
    %c0_i32_0 = arith.constant 0 : i32
    return %c0_i32, %arg0 : i32, i32
  }
}

</mosaic_0001>

<sc_bundles>
// kernel: kernel.4.cloned.1.call-start
scs
__scs_entry_jumppad:
0x0: {  	(pc) =	sbr.rel $0x88, $3  }
0x1: {  	(tag) =	ssettag $0x0;
	lr =	simm.s32 $0x1  }
0x2: {  	[smem:$0x3F9F] =	sst lr;
	_ =	strace $0xD0000000  }
0x3: {  	_ = 	snop  }
0x4: {  	_ = 	snop  }
0x5: {  	_ = 	snop  }
0x6: {  	_ = 	snop  }
0x7: {  	_ = 	snop  }
__scs_overlays_trampoline_lowered:
0x8: {  	[smem:$0x3FAE] =	sst s0  }
0x9: {  	[smem:$0x3FAF] =	sst s1  }
0xa: {  	[smem:$0x3FB0] =	sst s2  }
0xb: {  	[smem:$0x3FB1] =	sst s3  }
0xc: {  	[smem:$0x3FB2] =	sst s4  }
0xd: {  	[smem:$0x3FB3] =	sst s5  }
0xe: {  	[smem:$0x3FB4] =	sst s6  }
0xf: {  	[smem:$0x3FB5] =	sst s7  }
0x10: {  	[smem:$0x3FB6] =	sst s8  }
0x11: {  	[smem:$0x3FB7] =	sst s9;
	s0 =	simm.s32 @!p0 $0x0  }
0x12: {  	s1 =	sld [smem:$0x3F9D];
	s0 =	simm.s32 @p0 $0x1  }
0x13: {  	[smem:$0x3FB8] =	sst s0;
	s0 =	simm.s32 @!p1 $0x0  }
0x14: {  	s2 =	sld [smem:$0x3F9C];
	s0 =	simm.s32 @p1 $0x1  }
0x15: {  	[smem:$0x3FB9] =	sst s0;
	s0 =	simm.s32 @!p2 $0x0  }
0x16: {  	s3 =	sld [smem:$0x3FDB];
	s0 =	simm.s32 @p2 $0x1  }
0x17: {  	s4 =	simm.s32 $0x1BF5;
	[smem:$0x3FBB] =	sst s0  }
0x18: {  	s0 =	sld [smem:$0x3F9E];
	_ =	swait.ge [sflag:s4], $0x0  }
0x19: {  	s7 =	sld [smem:$0x3F9F]  }
0x1a: {  	s8 =	sadd.s32 $0xFFFFE003, lr  }
0x1b: {  	s9 =	sadd.s32 $0xFFFFFEF7, lr;
	s5 =	simm.s32 $0xFFFFFFFF;
	p2 =	slt.u32 s8, $0xFFFFF086  }
0x1c: {  	p1 =	slt.u32 s9, $0xF7A;
	s5 =	simm.s32 @!p2 $0x0  }
0x1d: {  	s5 =	simm.s32 @p1 $0x1;
	p0 =	seq.s32 s7, s2  }
0x1e: {  	s7 =	smul.u32 @!p0 $0xF7A, s2;
	p2 =	seq.s32 @!p0 s5, $0x0  }
0x1f: {  	s9 =	smul.u32 $0xF7A, s1;
	s8 =	simm.s32 @!p0 $0x1BF5;
	p2 =	por !p2, p0  }
0x20: {  	[sflag:s8] =	ssyncset.s32 @!p0 $0xFFFFF086;
	s6 =	sadd.s32 @!p0 s3, s7;
	s7 =	simm.s32 @!p0 $0x108  }
0x21: {  	s3 =	sadd.s32 s3, s9;
	s6 =	sadd.s32 @!p0 $0x88, s6;
	s7 =	simm.s32 @p2 $0x1082  }
0x22: {  	[simem:s7], [sflag:s8] =	dma.local @!p0 [hbm:s6], $0xF7A  }
0x23: {  	s9 =	sor.u32 $0xD0000000, s2;
	s6 =	simm.s32 $0x108;
	_ =	swait.ge @!p0 [sflag:s8], $0x0  }
0x24: {  	s3 =	sadd.s32 $0x88, s3;
	s6 =	simm.s32 @!p1 $0x1082;
	[sflag:s4] =	ssyncset.s32 $0xFFFFF086  }
0x25: {  	[simem:s6], [sflag:s4] =	dma.local [hbm:s3], $0xF7A  }
0x26: {  	[smem:$0x3F9F] =	sst s1;
	(tag) =	ssettag s2;
	_ =	strace s9  }
0x27: {  	s1 =	sld [smem:$0x3FAF]  }
0x28: {  	s2 =	sld [smem:$0x3FB0]  }
0x29: {  	s4 =	sld [smem:$0x3FB2]  }
0x2a: {  	p0 =	seq.s32 s5, $0x0;
	s5 =	sld [smem:$0x3FB3]  }
0x2b: {  	s6 =	sld [smem:$0x3FB4]  }
0x2c: {  	s7 =	sld [smem:$0x3FB5]  }
0x2d: {  	s3 =	simm.s32 $0x108;
	s8 =	sld [smem:$0x3FB6]  }
0x2e: {  	s3 =	simm.s32 @!p0 $0x1082;
	s9 =	sld [smem:$0x3FB7]  }
0x2f: {  	lr =	sadd.s32 s0, s3;
	s0 =	sld [smem:$0x3FAE]  }
0x30: {  	s3 =	sld [smem:$0x3FB1]  }
0x31: {  	[smem:$0x3FBA] =	sst s10  }
0x32: {  	s10 =	sld [smem:$0x3FB8];
	_ =	sdelay $0x3  }
0x33: {  	p0 =	seq.s32 s10, $0x1;
	s10 =	sld [smem:$0x3FBA];
	_ =	sdelay $0x3  }
0x34: {  	[smem:$0x3FBA] =	sst s10  }
0x35: {  	s10 =	sld [smem:$0x3FB9];
	_ =	sdelay $0x3  }
0x36: {  	p1 =	seq.s32 s10, $0x1;
	s10 =	sld [smem:$0x3FBA];
	_ =	sdelay $0x3  }
0x37: {  	[smem:$0x3FBA] =	sst s10  }
0x38: {  	s10 =	sld [smem:$0x3FBB]  }
0x39: {  	_ = 	snop;
	(pc) =	sbr.ind lr, $3  }
0x3a: {  	_ = 	snop  }
0x3b: {  	_ = 	snop  }
0x3c: {  	p2 =	seq.s32 s10, $0x1;
	s10 =	sld [smem:$0x3FBA]  }
0x3d: {  	_ =	shalt  }
0x3e: {  	_ =	shalt  }
0x3f: {  	_ =	shalt  }
0x40: {  	_ =	shalt  }
0x41: {  	_ =	shalt  }
0x42: {  	_ =	shalt  }
0x43: {  	_ =	shalt  }
0x44: {  	_ =	shalt  }
0x45: {  	_ =	shalt  }
0x46: {  	_ =	shalt  }
0x47: {  	_ =	shalt  }
0x48: {  	_ =	shalt  }
0x49: {  	_ =	shalt  }
0x4a: {  	_ =	shalt  }
0x4b: {  	_ =	shalt  }
0x4c: {  	_ =	shalt  }
0x4d: {  	_ =	shalt  }
0x4e: {  	_ =	shalt  }
0x4f: {  	_ =	shalt  }
0x50: {  	_ =	shalt  }
0x51: {  	_ =	shalt  }
0x52: {  	_ =	shalt  }
0x53: {  	_ =	shalt  }
0x54: {  	_ =	shalt  }
0x55: {  	_ =	shalt  }
0x56: {  	_ =	shalt  }
0x57: {  	_ =	shalt  }
0x58: {  	_ =	shalt  }
0x59: {  	_ =	shalt  }
0x5a: {  	_ =	shalt  }
0x5b: {  	_ =	shalt  }
0x5c: {  	_ =	shalt  }
0x5d: {  	_ =	shalt  }
0x5e: {  	_ =	shalt  }
0x5f: {  	_ =	shalt  }
0x60: {  	_ =	shalt  }
0x61: {  	_ =	shalt  }
0x62: {  	_ =	shalt  }
0x63: {  	_ =	shalt  }
0x64: {  	_ =	shalt  }
0x65: {  	_ =	shalt  }
0x66: {  	_ =	shalt  }
0x67: {  	_ =	shalt  }
0x68: {  	_ =	shalt  }
0x69: {  	_ =	shalt  }
0x6a: {  	_ =	shalt  }
0x6b: {  	_ =	shalt  }
0x6c: {  	_ =	shalt  }
0x6d: {  	_ =	shalt  }
0x6e: {  	_ =	shalt  }
0x6f: {  	_ =	shalt  }
0x70: {  	_ =	shalt  }
0x71: {  	_ =	shalt  }
0x72: {  	_ =	shalt  }
0x73: {  	_ =	shalt  }
0x74: {  	_ =	shalt  }
0x75: {  	_ =	shalt  }
0x76: {  	_ =	shalt  }
0x77: {  	_ =	shalt  }
0x78: {  	_ =	shalt  }
0x79: {  	_ =	shalt  }
0x7a: {  	_ =	shalt  }
0x7b: {  	_ =	shalt  }
0x7c: {  	_ =	shalt  }
0x7d: {  	_ =	shalt  }
0x7e: {  	_ =	shalt  }
0x7f: {  	_ =	shalt  }
0x80: {  	_ =	shalt  }
0x81: {  	_ =	shalt  }
0x82: {  	_ =	shalt  }
0x83: {  	_ =	shalt  }
0x84: {  	_ =	shalt  }
0x85: {  	_ =	shalt  }
0x86: {  	_ =	shalt  }
0x87: {  	_ =	shalt  }
.Lfunc_end0:
.L_simem_size_0:
called_computation_lowered:
.L_overlay_start_0:
0x88: {  	s2 =	sld [smem:$0x3FD9]  }
0x89: {  	s3 =	sld [smem:$0x3FFE];
	_ =	sdelay $0x1  }
0x8a: {  	s1 =	srdreg.scid  }
0x8b: {  	s0 =	sand.u32 $0x1, s1  }
0x8c: {  	s17 =	sshll.u32 s0, $0xA;
	s2 =	sadd.s32 s3, s2  }
0x8d: {  	s2 =	sadd.s32 s2, s17  }
0x8e: {  	[smem:$0x3FC6] =	sst s2  }
0x8f: {  	_ = 	snop  }
0x90: {  	s2 =	sld [smem:$0x3FC9]  }
0x91: {  	s18 =	sld [smem:$0x3FD0];
	(tm) =	ssettm $0x1  }
0x92: {  	s4 =	sld [smem:$0x3FFB];
	_ =	sdelay $0x3  }
0x93: {  	_ =	strace s4  }
0x94: {  	s4 =	sld [smem:$0x3FFC];
	_ =	sdelay $0x3  }
0x95: {  	_ =	strace s4  }
0x96: {  	s4 =	sld [smem:$0x3FFD];
	_ =	sdelay $0x3  }
0x97: {  	_ =	strace s4  }
0x98: {  	_ =	strace $0x8FFFFFFF  }
0x99: {  	s19 =	sld [smem:$0x3FDB];
	_ =	sdelay $0x1  }
0x9a: {  	s5 =	simm.s32 $_scs_section_size  }
0x9b: {  	s6 =	simm.s32 $_size__tile_overlayer_lowered;
	s7 =	simm.s32 $_tile_overlayer_lowered  }
0x9c: {  	s22 =	simm.s32 $0x1BFF;
	s21 =	sshll.u32 s7, $0x1;
	s4 =	sadd.s32 s5, s19  }
0x9d: {  	s8 =	simm.s32 $0x0;
	s20 =	sshll.u32 s6, $0x1;
	s6 =	sadd.s32 s21, s4  }
0x9e: {  	[timem:s8], [sflag:s22] =	dma.local [hbm:s6], s20  }
0x9f: {  	_ =	swait.ge [sflag:s22], s20  }
0xa0: {  	s5 =	ssub.s32 $0x0, s20;
	[sflag:s22] =	ssyncset.done $0x0  }
0xa1: {  	[sflag:s22] =	ssyncadd.s32 s5;
	_ =	sdelay $0x1  }
0xa2: {  	s23 =	simm.s32 $0x1B8B  }
0xa3: {  	_ =	swait.ge [sflag:s23], $0x1  }
0xa4: {  	[sflag:s23] =	ssyncset.done $0x0  }
0xa5: {  	s25 =	simm.s32 $0x1B8E;
	s24 =	sld [smem:$0x3FFE];
	[sflag:s23] =	ssyncadd.s32 $0xFFFFFFFF  }
0xa6: {  	s26 =	simm.s32 $execute0_lowered;
	[smem:$0x3FD2] =	sst s25  }
0xa7: {  	s6 =	sshll.u32 s26, $0x1;
	_ =	strace $0x80000046;
	[dreg:$0x1] =	wrdreg $0xFFFFFFFF  }
0xa8: {  	s28 =	simm.s32 $_size_execute0_lowered;
	s4 =	sadd.s32 s4, s6;
	[dreg:$0x0] =	wrdreg $0x0  }
0xa9: {  	s6 =	sshll.u32 s28, $0x1;
	[dreg:$0x2] =	wrdreg s4  }
0xaa: {  	[dreg:$0x3] =	wrdreg s6  }
0xab: {  	[dreg:$0x4] =	wrdreg $0xC0  }
0xac: {  	_ =	task [dreg:s8], $0x5FFFF  }
0xad: {  	[dreg:$0x1] =	wrdreg $0xFFFFFFFF  }
0xae: {  	[dreg:$0x0] =	wrdreg $0x60  }
0xaf: {  	[dreg:$0x2] =	wrdreg s24  }
0xb0: {  	[dreg:$0x3] =	wrdreg s2  }
0xb1: {  	[dreg:$0x4] =	wrdreg s18  }
0xb2: {  	[dreg:$0x5] =	wrdreg $0x9  }
0xb3: {  	_ =	task.clear_ibuf [dreg:s8], $0x6FFFF;
	_ =	strace $0x90000046  }
0xb4: {  	s29 =	simm.s32 $0x9;
	_ =	strace $0x80000048  }
0xb5: {  	_ =	swait.ge [sflag:s29], $0x1  }
0xb6: {  	[sflag:s29] =	ssyncadd.s32 $0xFFFFFFFF  }
0xb7: {  	_ =	strace $0x90000048  }
0xb8: {  	_ =	sfence  }
0xb9: {  	s30 =	sld [smem:$0x0];
	_ =	sdelay $0x2  }
0xba: {  	s31 =	sshll.u32 s1, $0xD;
	s1 =	sshrl.u32 s1, $0x2  }
0xbb: {  	s3 =	sand.u32 $0x4000, s31;
	s1 =	sadd.s32 s1, s30  }
0xbc: {  	s0 =	sor.u32 s3, s0;
	s1 =	sshll.u32 s1, $0x11  }
0xbd: {  	s0 =	sor.u32 s1, s0  }
0xbe: {  	s0 =	sadd.s32 $0x8F2B, s0  }
0xbf: {  	[sflag:s0] =	ssyncadd.remote.s32 $0x1  }
0xc0: {  	_ =	sfence.sel $0xFFFF  }
0xc1: {  	[dreg:$0x0] =	wrdreg $0xFFFFFFFF;
	(pc) =	sbr.abs _section_cstart, $3  }
0xc2: {  	[dreg:$0x1] =	wrdreg $0xFFFFFFFF  }
0xc3: {  	_ =	task.clear_ibuf [dreg:s8], $0x2FFFF;
	_ =	strace $0x9FFFFFFF  }
0xc4: {  	(tm) =	ssettm $0x7FFFFFFF  }
0xc5: {  	_ =	shalt  }
tec
execute0_lowered:
.L_overlay_start_1:
0x0: {  	(tag) =	ssettag $0x1  }
0x1: {  	s5 =	rddreg [dreg:$0x0]  }
0x2: {  	s1 =	rddreg [dreg:$0x1]  }
0x3: {  	s2 =	rddreg [dreg:$0x2]  }
0x4: {  	s3 =	srdreg.scid;
	s0 =	stileid.u32  }
0x5: {  	s4 =	simm.s32 $0x0;
	s11 =	simm.s32 $0x400;
	s12 =	simm.s32 $0x7  }
0x6: {  	s13 =	simm.s32 $0x3;
	s14 =	simm.s32 $0x4;
	s15 =	simm.s32 $0x5  }
0x7: {  	s16 =	simm.s32 $0x6;
	s17 =	simm.s32 $0x0;
	s6 =	sand.u32 $0x1, s3  }
0x8: {  	s7 =	sshrl.u32 s0, $0x2;
	s26 =	sshll.u32 s0, $0x8;
	s3 =	rddreg [dreg:$0x3]  }
0x9: {  	[smem:$0x7FF] =	sst s4;
	s30 =	sshll.u32 s0, $0xD;
	s8 =	sshll.u32 s6, $0x7  }
0xa: {  	s9 =	sand.u32 $0x300, s26;
	s10 =	smul.u32 $0xC3800, s7;
	s6 =	ssub.s32 $0x2, s6  }
0xb: {  	_ =	strace $0x80000047;
	s7 =	sshll.u32 s7, $0xF;
	s8 =	sor.u32 s8, s9  }
0xc: {  	s31 =	sand.u32 $0x18000, s30;
	s28 =	sshrl.u32 s6, $0x1;
	s9 =	sor.u32 s10, s8  }
0xd: {  	s29 =	ssub.s32 s6, s28;
	s6 =	sor.u32 s8, s7;
	s9 =	sshrl.u32 s9, $0x3  }
0xe: {  	s7 =	sor.u32 s31, s8;
	s8 =	sadd.s32 $0x4000, s2;
	s5 =	sadd.s32 s9, s5  }
0xf: {  	s10 =	simm.s32 $0x80;
	s9 =	smax.u32 s29, $0x1;
	s5 =	sadd.s32 $0x600, s5  }
.LBB2_1:
0x10: {  	[tilespmem:s4], [sflag:$0x7] =	stream.strided.gather [hbm4b:s5+s10], $0x18700, s11, s10, $0x38;
	[tilespmem:$0x1E700] =	vst v63  }
0x11: {  	_ =	swait.ge [sflag:s12], $0x18700  }
0x12: {  	[sflag:s12] =	ssyncset.done $0x0  }
0x13: {  	s18 =	simm.s32 $0x18700;
	s20 =	simm.s32 $0x0;
	[sflag:s12] =	ssyncadd.s32 $0xFFFE7900  }
.LBB2_2:
0x14: {  	p0 =	seq.s32 s20, $0xF80  }
.Ltmp0:
0x15: {  	_ = 	snop;
	(pc) =	sbr.rel @!p0 .LBB2_2-.Ltmp0, $4  }
0x16: {  	_ = 	snop  }
0x17: {  	s21 =	sadd.s32 s20, s1;
	s19 =	simm.s32 $0x0  }
0x18: {  	[tilespmem:s18], [sflag:$0x1] =	stream.linear.gather [hbm4b:s21+s19], $0x80, $0x38;
	[tilespmem:$0x1E700] =	vst v63  }
0x19: {  	s20 =	sadd.s32 $0x80, s20;
	s18 =	sadd.s32 $0x100, s18  }
0x1a: {  	p0 =	por $0x1, $0x1;
	p1 =	por $0x0, $0x0  }
.LBB2_5:
0x1b: {  	p2 =	seq.s32 s19, $0xC7  }
.Ltmp1:
0x1c: {  	_ = 	snop;
	(pc) =	sbr.rel @p2 .LBB2_9-.Ltmp1, $2  }
0x1d: {  	_ =	sdelay $0x2  }
0x1e: {  	s20 =	sand.u32 $0x1, s19;
	s18 =	sadd.s32 $0x1, s19  }
0x1f: {  	s21 =	simm.s32 $0x1;
	s22 =	sshll.u32 s18, $0x4;
	s23 =	sshll.u32 s18, $0x9  }
0x20: {  	s24 =	sxor.u32 $0x1, s20;
	s21 =	simm.s32 @!p0 $0x0;
	s22 =	sand.u32 $0x70, s22  }
0x21: {  	s23 =	sand.u32 $0x3F000, s23;
	s21 =	sshll.u32 s21, $0x7;
	s25 =	sadd.s32 s1, s22  }
0x22: {  	s22 =	sor.u32 $0x18700, s21;
	s21 =	sadd.s32 $0x1, s24;
	s23 =	sadd.s32 s23, s25  }
0x23: {  	s24 =	simm.s32 $0x80;
	s26 =	sadd.s32 $0x0, s23;
	s25 =	sadd.s32 $0x100, s22  }
.LBB2_7:
0x24: {  	[tilespmem:s22], [sflag:s21] =	stream.linear.gather [hbm4b:s26+s4], $0x80, $0x38;
	[tilespmem:$0x1E700] =	vst v63  }
0x25: {  	s26 =	smov.u32 s24;
	s22 =	smov.u32 s25;
	p2 =	sne.s32 s24, $0xF80  }
.Ltmp2:
0x26: {  	s24 =	sadd.s32 $0x80, s24;
	(pc) =	sbr.rel @p2 .LBB2_7-.Ltmp2, $2  }
0x27: {  	_ =	sdelay $0x2  }
0x28: {  	s25 =	sadd.s32 $0x100, s25;
	s26 =	sadd.s32 s26, s23  }
0x29: {  	[tilespmem:s22], [sflag:s21] =	stream.linear.gather [hbm4b:s26+s4], $0x80, $0x38;
	[tilespmem:$0x1E700] =	vst v63  }
.LBB2_9:
0x2a: {  	s21 =	sadd.s32 $0x1, s20  }
0x2b: {  	p2 =	slt.u32 s19, $0x2;
	_ =	swait.ge [sflag:s21], $0x1000  }
0x2c: {  	s22 =	sshll.u32 @!p2 s20, $0x1;
	[sflag:s21] =	ssyncset.done $0x0  }
0x2d: {  	[sflag:s21] =	ssyncadd.s32 $0xFFFFF000;
	s21 =	sadd.s32 @!p2 $0x3, s22  }
0x2e: {  	_ =	swait.ge @!p2 [sflag:s21], $0x1000  }
0x2f: {  	[sflag:s21] =	ssyncset.done @!p2 $0x0  }
0x30: {  	s23 =	simm.s32 $0x1;
	[sflag:s21] =	ssyncadd.s32 @!p2 $0xFFFFF000;
	s21 =	sor.u32 @!p2 $0x4, s22  }
0x31: {  	s23 =	simm.s32 @!p1 $0x0;
	_ =	swait.ge @!p2 [sflag:s21], $0x1000  }
0x32: {  	s31 =	sshll.u32 s23, $0x7;
	[sflag:s21] =	ssyncset.done @!p2 $0x0  }
0x33: {  	s24 =	sor.u32 $0x18800, s31;
	[sflag:s21] =	ssyncadd.s32 @!p2 $0xFFFFF000  }
0x34: {  	v0 =	vld [tilespmem:s24+$0x70]  }
0x35: {  	v1 =	vld [tilespmem:s24+$0xFFFFFF10]  }
0x36: {  	v2 =	vld [tilespmem:s24+$0xFFFFFF20]  }
0x37: {  	v3 =	vld [tilespmem:s24+$0xFFFFFF30]  }
0x38: {  	v4 =	vld [tilespmem:s24+$0xFFFFFF40]  }
0x39: {  	v5 =	vld [tilespmem:s24+$0xFFFFFF50]  }
0x3a: {  	v6 =	vld [tilespmem:s24+$0xFFFFFF60]  }
0x3b: {  	v7 =	vld [tilespmem:s24+$0xFFFFFF70]  }
0x3c: {  	v8 =	vld [tilespmem:s24+$0x0]  }
0x3d: {  	v9 =	vld [tilespmem:s24+$0x10]  }
0x3e: {  	v10 =	vld [tilespmem:s24+$0x20];
	vm0 =	vlt.s32 v0, $0x1869F  }
0x3f: {  	v11 =	vld [tilespmem:s24+$0x30];
	vm14 =	vlt.s32 v1, $0x1869F;
	v0 =	vnsel vm0, $0x1869F, v0  }
0x40: {  	v12 =	vld [tilespmem:s24+$0x40];
	vm15 =	vlt.s32 v2, $0x1869F;
	v1 =	vnsel vm14, $0x1869F, v1  }
0x41: {  	v13 =	vld [tilespmem:s24+$0x50];
	vm4 =	vlt.s32 v3, $0x1869F;
	v2 =	vnsel vm15, $0x1869F, v2  }
0x42: {  	v14 =	vld [tilespmem:s24+$0x60];
	vm5 =	vlt.s32 v4, $0x1869F;
	v3 =	vnsel vm4, $0x1869F, v3  }
0x43: {  	v15 =	vld [tilespmem:s24+$0xFFFFFF00];
	vm6 =	vlt.s32 v5, $0x1869F;
	v4 =	vnsel vm5, $0x1869F, v4  }
0x44: {  	vm7 =	vlt.s32 v6, $0x1869F;
	v5 =	vnsel vm6, $0x1869F, v5;
	v0 =	vld.idx.msk [tilespmem:v0+s4+$0x0], $0xffff  }
0x45: {  	vm8 =	vlt.s32 v7, $0x1869F;
	v6 =	vnsel vm7, $0x1869F, v6;
	v1 =	vld.idx.msk [tilespmem:v1+s4+$0x0], $0xffff  }
0x46: {  	vm9 =	vlt.s32 v8, $0x1869F;
	v7 =	vnsel vm8, $0x1869F, v7;
	v2 =	vld.idx.msk [tilespmem:v2+s4+$0x0], $0xffff  }
0x47: {  	vm10 =	vlt.s32 v9, $0x1869F;
	v8 =	vnsel vm9, $0x1869F, v8;
	v16 =	vld.idx.msk [tilespmem:v3+s4+$0x0], $0xffff  }
0x48: {  	s23 =	sshll.u32 s23, $0xD;
	vm11 =	vlt.s32 v10, $0x1869F;
	v3 =	vnsel vm10, $0x1869F, v9;
	v4 =	vld.idx.msk [tilespmem:v4+s4+$0x0], $0xffff  }
0x49: {  	s22 =	sadd.s32 $0x1A800, s23;
	vm1 =	vlt.s32 v11, $0x1869F;
	v9 =	vnsel vm11, $0x1869F, v10;
	v5 =	vld.idx.msk [tilespmem:v5+s4+$0x0], $0xffff;
	v10 =	vand.u32 $0xFFFF0000, v0  }
0x4a: {  	vm12 =	vlt.s32 v15, $0x1869F;
	v17 =	vld.idx.msk [tilespmem:v6+s4+$0x0], $0xffff;
	v6 =	vnsel vm1, $0x1869F, v11;
	v0 =	vshll.u32 v0, $0x10;
	[tilespmem:s22+$0xF0] =	vst v10  }
0x4b: {  	vm13 =	vlt.s32 v12, $0x1869F;
	v18 =	vld.idx.msk [tilespmem:v7+s4+$0x0], $0xffff;
	v11 =	vshll.u32 v1, $0x10;
	v10 =	vnsel vm12, $0x1869F, v15;
	[tilespmem:s22+$0x70] =	vst v0  }
0x4c: {  	vm14 =	vlt.s32 v13, $0x1869F;
	v19 =	vld.idx.msk [tilespmem:v8+s4+$0x0], $0xffff;
	v1 =	vand.u32 $0xFFFF0000, v1;
	v0 =	vnsel vm13, $0x1869F, v12;
	[tilespmem:s22+$0xFFFFFF10] =	vst v11  }
0x4d: {  	vm15 =	vlt.s32 v14, $0x1869F;
	v7 =	vshll.u32 v2, $0x10;
	v20 =	vld.idx.msk [tilespmem:v3+s4+$0x0], $0xffff;
	v11 =	vnsel vm14, $0x1869F, v13;
	[tilespmem:s22+$0xFFFFFF90] =	vst v1  }
0x4e: {  	v21 =	vnsel vm15, $0x1869F, v14;
	v3 =	vld.idx.msk [tilespmem:v9+s4+$0x0], $0xffff;
	v8 =	vand.u32 $0xFFFF0000, v16;
	[tilespmem:s22+$0xFFFFFF20] =	vst v7  }
0x4f: {  	v6 =	vld.idx.msk [tilespmem:v6+s4+$0x0], $0xffff;
	v14 =	vand.u32 $0xFFFF0000, v5;
	v1 =	vand.u32 $0xFFFF0000, v2;
	[tilespmem:s22+$0xFFFFFFB0] =	vst v8  }
0x50: {  	v2 =	vshll.u32 v16, $0x10;
	v15 =	vshll.u32 v5, $0x10;
	v12 =	vshll.u32 v17, $0x10;
	[tilespmem:s22+$0xFFFFFFA0] =	vst v1;
	v13 =	vld.idx.msk [tilespmem:v10+s4+$0x0], $0xffff  }
0x51: {  	v7 =	vand.u32 $0xFFFF0000, v17;
	v8 =	vshll.u32 v18, $0x10;
	v1 =	vshll.u32 v4, $0x10;
	[tilespmem:s22+$0xFFFFFF30] =	vst v2;
	v9 =	vld.idx.msk [tilespmem:v0+s4+$0x0], $0xffff  }
0x52: {  	s25 =	simm.s32 $0x0;
	s26 =	sadd.s32 $0x200, s24;
	v5 =	vshll.u32 v19, $0x10;
	[tilespmem:s22+$0xFFFFFF40] =	vst v1;
	v1 =	vand.u32 $0xFFFF0000, v19;
	v10 =	vand.u32 $0xFFFF0000, v4;
	v11 =	vld.idx.msk [tilespmem:v11+s4+$0x0], $0xffff  }
0x53: {  	s21 =	sadd.s32 $0x1A780, s23;
	s23 =	sadd.s32 $0x1A700, s23;
	s24 =	smov.u32 s22;
	v2 =	vshll.u32 v20, $0x10;
	v4 =	vand.u32 $0xFFFF0000, v18;
	v0 =	vand.u32 $0xFFFF0000, v20;
	[tilespmem:s22+$0xFFFFFFC0] =	vst v10;
	v10 =	vld.idx.msk [tilespmem:v21+s4+$0x0], $0xffff  }
.LBB2_10:
0x54: {  	v16 =	vld [tilespmem:s26+$0x70];
	s25 =	sadd.s32 $0x10, s25;
	[tilespmem:s22+$0xFFFFFF50] =	vst v15;
	v15 =	vshll.u32 v3, $0x10;
	v3 =	vand.u32 $0xFFFF0000, v3  }
0x55: {  	v18 =	vshll.u32 v13, $0x10;
	v13 =	vand.u32 $0xFFFF0000, v13;
	v17 =	vld [tilespmem:s26+$0xFFFFFF10];
	p2 =	slt.u32 s25, $0xF0;
	[tilespmem:s22+$0xFFFFFFD0] =	vst v14  }
0x56: {  	v14 =	vld [tilespmem:s26+$0xFFFFFF20];
	[tilespmem:s22+$0xFFFFFF00] =	vst v18;
	v18 =	vshll.u32 v6, $0x10;
	v6 =	vand.u32 $0xFFFF0000, v6  }
0x57: {  	v19 =	vld [tilespmem:s26+$0xFFFFFF30];
	[tilespmem:s22+$0xFFFFFF80] =	vst v13;
	v13 =	vshll.u32 v9, $0x10;
	v9 =	vand.u32 $0xFFFF0000, v9  }
0x58: {  	v20 =	vld [tilespmem:s26+$0xFFFFFF40];
	[tilespmem:s22+$0xFFFFFF60] =	vst v12;
	v12 =	vshll.u32 v11, $0x10;
	v11 =	vand.u32 $0xFFFF0000, v11  }
0x59: {  	v21 =	vld [tilespmem:s26+$0xFFFFFF50];
	vm0 =	vlt.s32 v16, $0x1869F;
	[tilespmem:s22+$0xFFFFFFE0] =	vst v7;
	v7 =	vshll.u32 v10, $0x10;
	v10 =	vand.u32 $0xFFFF0000, v10  }
0x5a: {  	vm1 =	vlt.s32 v17, $0x1869F;
	v22 =	vld [tilespmem:s26+$0xFFFFFF60];
	v16 =	vnsel vm0, $0x1869F, v16;
	[tilespmem:s22+$0xFFFFFF70] =	vst v8  }
0x5b: {  	v8 =	vnsel vm1, $0x1869F, v17;
	vm0 =	vlt.s32 v14, $0x1869F;
	v17 =	vld [tilespmem:s26+$0xFFFFFF70];
	[tilespmem:s22+$0xFFFFFFF0] =	vst v4  }
0x5c: {  	v4 =	vnsel vm0, $0x1869F, v14;
	vm0 =	vlt.s32 v19, $0x1869F;
	v14 =	vld [tilespmem:s26+$0x0];
	[tilespmem:s22+$0x0] =	vst v5  }
0x5d: {  	v5 =	vnsel vm0, $0x1869F, v19;
	vm0 =	vlt.s32 v20, $0x1869F;
	v19 =	vld [tilespmem:s26+$0x10];
	[tilespmem:s22+$0x80] =	vst v1  }
0x5e: {  	v1 =	vnsel vm0, $0x1869F, v20;
	vm0 =	vlt.s32 v21, $0x1869F;
	v20 =	vld [tilespmem:s26+$0x20];
	[tilespmem:s22+$0x10] =	vst v2  }
0x5f: {  	v2 =	vnsel vm0, $0x1869F, v21;
	vm0 =	vlt.s32 v22, $0x1869F;
	v16 =	vld.idx.msk [tilespmem:v16+s4+$0x0], $0xffff;
	[tilespmem:s22+$0x90] =	vst v0  }
0x60: {  	v0 =	vnsel vm0, $0x1869F, v22;
	vm0 =	vlt.s32 v17, $0x1869F;
	v21 =	vld [tilespmem:s26+$0x30];
	[tilespmem:s22+$0x20] =	vst v15  }
0x61: {  	v15 =	vnsel vm0, $0x1869F, v17;
	vm0 =	vlt.s32 v14, $0x1869F;
	v17 =	vld [tilespmem:s26+$0x40];
	[tilespmem:s22+$0xA0] =	vst v3  }
0x62: {  	v3 =	vnsel vm0, $0x1869F, v14;
	vm0 =	vlt.s32 v19, $0x1869F;
	v14 =	vld [tilespmem:s26+$0x50];
	[tilespmem:s22+$0x30] =	vst v18  }
0x63: {  	v18 =	vnsel vm0, $0x1869F, v19;
	vm0 =	vlt.s32 v20, $0x1869F;
	v19 =	vld [tilespmem:s26+$0x60];
	[tilespmem:s22+$0xB0] =	vst v6  }
0x64: {  	v6 =	vld [tilespmem:s26+$0xFFFFFF00];
	v20 =	vnsel vm0, $0x1869F, v20;
	[tilespmem:s22+$0x40] =	vst v13  }
0x65: {  	v13 =	vshll.u32 v16, $0x10;
	v16 =	vand.u32 $0xFFFF0000, v16;
	s22 =	sadd.s32 $0x200, s22;
	v8 =	vld.idx.msk [tilespmem:v8+s4+$0x0], $0xffff;
	vm0 =	vlt.s32 v21, $0x1869F;
	[tilespmem:s24+$0xC0] =	vst v9  }
0x66: {  	v4 =	vld.idx.msk [tilespmem:v4+s4+$0x0], $0xffff;
	v9 =	vnsel vm0, $0x1869F, v21;
	vm0 =	vlt.s32 v17, $0x1869F;
	[tilespmem:s22+$0xF0] =	vst v16  }
0x67: {  	v5 =	vld.idx.msk [tilespmem:v5+s4+$0x0], $0xffff;
	v16 =	vnsel vm0, $0x1869F, v17;
	vm0 =	vlt.s32 v14, $0x1869F;
	[tilespmem:s24+$0x50] =	vst v12  }
0x68: {  	v1 =	vld.idx.msk [tilespmem:v1+s4+$0x0], $0xffff;
	v17 =	vnsel vm0, $0x1869F, v14;
	vm0 =	vlt.s32 v19, $0x1869F;
	[tilespmem:s24+$0xD0] =	vst v11  }
0x69: {  	vm1 =	vlt.s32 v6, $0x1869F;
	v2 =	vld.idx.msk [tilespmem:v2+s4+$0x0], $0xffff;
	v19 =	vnsel vm0, $0x1869F, v19;
	[tilespmem:s24+$0x60] =	vst v7  }
0x6a: {  	v6 =	vnsel vm1, $0x1869F, v6;
	v0 =	vld.idx.msk [tilespmem:v0+s4+$0x0], $0xffff;
	[tilespmem:s24+$0xE0] =	vst v10;
	s24 =	smov.u32 s22  }
0x6b: {  	v7 =	vshll.u32 v8, $0x10;
	v8 =	vand.u32 $0xFFFF0000, v8;
	v10 =	vld.idx.msk [tilespmem:v15+s4+$0x0], $0xffff;
	[tilespmem:s22+$0x70] =	vst v13  }
0x6c: {  	[tilespmem:s22+$0xFFFFFF10] =	vst v7;
	v7 =	vshll.u32 v4, $0x10;
	v4 =	vand.u32 $0xFFFF0000, v4;
	v11 =	vld.idx.msk [tilespmem:v3+s4+$0x0], $0xffff  }
0x6d: {  	[tilespmem:s22+$0xFFFFFF90] =	vst v8;
	v8 =	vshll.u32 v5, $0x10;
	v5 =	vand.u32 $0xFFFF0000, v5;
	v18 =	vld.idx.msk [tilespmem:v18+s4+$0x0], $0xffff  }
0x6e: {  	v21 =	vshll.u32 v1, $0x10;
	v22 =	vand.u32 $0xFFFF0000, v1;
	[tilespmem:s22+$0xFFFFFF20] =	vst v7;
	v3 =	vld.idx.msk [tilespmem:v20+s4+$0x0], $0xffff  }
.Ltmp3:
0x6f: {  	v15 =	vshll.u32 v2, $0x10;
	v14 =	vand.u32 $0xFFFF0000, v2;
	v13 =	vld.idx.msk [tilespmem:v6+s4+$0x0], $0xffff;
	[tilespmem:s22+$0xFFFFFFA0] =	vst v4;
	(pc) =	sbr.rel @p2 .LBB2_10-.Ltmp3, $4  }
0x70: {  	v12 =	vshll.u32 v0, $0x10;
	v7 =	vand.u32 $0xFFFF0000, v0;
	[tilespmem:s22+$0xFFFFFF30] =	vst v8;
	v6 =	vld.idx.msk [tilespmem:v9+s4+$0x0], $0xffff  }
0x71: {  	v8 =	vshll.u32 v10, $0x10;
	v4 =	vand.u32 $0xFFFF0000, v10;
	[tilespmem:s22+$0xFFFFFFB0] =	vst v5;
	v9 =	vld.idx.msk [tilespmem:v16+s4+$0x0], $0xffff  }
0x72: {  	v5 =	vshll.u32 v11, $0x10;
	v1 =	vand.u32 $0xFFFF0000, v11;
	[tilespmem:s22+$0xFFFFFF40] =	vst v21;
	v11 =	vld.idx.msk [tilespmem:v17+s4+$0x0], $0xffff  }
0x73: {  	s26 =	sadd.s32 $0x200, s26;
	v2 =	vshll.u32 v18, $0x10;
	v0 =	vand.u32 $0xFFFF0000, v18;
	[tilespmem:s22+$0xFFFFFFC0] =	vst v22;
	v10 =	vld.idx.msk [tilespmem:v19+s4+$0x0], $0xffff  }
0x74: {  	[tilespmem:s22+$0xFFFFFF50] =	vst v15  }
0x75: {  	[tilespmem:s22+$0xFFFFFFD0] =	vst v14  }
0x76: {  	[tilespmem:s22+$0xFFFFFF60] =	vst v12  }
0x77: {  	[tilespmem:s22+$0xFFFFFFE0] =	vst v7  }
0x78: {  	[tilespmem:s22+$0xFFFFFF70] =	vst v8  }
0x79: {  	[tilespmem:s22+$0xFFFFFFF0] =	vst v4  }
0x7a: {  	[tilespmem:s22+$0x0] =	vst v5  }
0x7b: {  	[tilespmem:s22+$0x80] =	vst v1  }
0x7c: {  	[tilespmem:s22+$0x10] =	vst v2  }
0x7d: {  	v52 =	vshll.u32 v13, $0x10;
	[tilespmem:s22+$0x90] =	vst v0  }
0x7e: {  	v53 =	vand.u32 $0xFFFF0000, v13;
	[tilespmem:s22+$0xFFFFFF00] =	vst v52  }
0x7f: {  	v54 =	vshll.u32 v3, $0x10;
	[tilespmem:s22+$0xFFFFFF80] =	vst v53  }
0x80: {  	v55 =	vand.u32 $0xFFFF0000, v3;
	[tilespmem:s22+$0x20] =	vst v54  }
0x81: {  	v56 =	vshll.u32 v6, $0x10;
	[tilespmem:s22+$0xA0] =	vst v55  }
0x82: {  	v57 =	vand.u32 $0xFFFF0000, v6;
	[tilespmem:s22+$0x30] =	vst v56  }
0x83: {  	v58 =	vshll.u32 v9, $0x10;
	[tilespmem:s22+$0xB0] =	vst v57  }
0x84: {  	v59 =	vand.u32 $0xFFFF0000, v9;
	[tilespmem:s22+$0x40] =	vst v58  }
0x85: {  	s19 =	sshll.u32 s19, $0x12;
	v60 =	vshll.u32 v11, $0x10;
	[tilespmem:s24+$0xC0] =	vst v59  }
0x86: {  	s31 =	sor.u32 s6, s19;
	v61 =	vand.u32 $0xFFFF0000, v11;
	[tilespmem:s24+$0x50] =	vst v60  }
0x87: {  	s25 =	sshrl.u32 s31, $0x3;
	v62 =	vshll.u32 v10, $0x10;
	[tilespmem:s24+$0xD0] =	vst v61  }
0x88: {  	s20 =	sshll.u32 s20, $0x1;
	s26 =	sadd.s32 $0x100, s23;
	s25 =	sadd.s32 s2, s25;
	v63 =	vand.u32 $0xFFFF0000, v10;
	[tilespmem:s24+$0x60] =	vst v62  }
0x89: {  	s22 =	sadd.s32 $0x3, s20;
	s28 =	sadd.s32 $0x0, s25;
	[tilespmem:s24+$0xE0] =	vst v63;
	s24 =	simm.s32 $0x80  }
.LBB2_12:
0x8a: {  	[hbm4b:s28+s4] =	stream.linear.scatter [tilespmem:s23], [sflag:s22], $0x80, $0x38;
	[tilespmem:$0x1E700] =	vst v63  }
0x8b: {  	s28 =	smov.u32 s24;
	s23 =	smov.u32 s26;
	p2 =	sne.s32 s24, $0xF80  }
.Ltmp4:
0x8c: {  	s24 =	sadd.s32 $0x80, s24;
	(pc) =	sbr.rel @p2 .LBB2_12-.Ltmp4, $2  }
0x8d: {  	_ =	sdelay $0x2  }
0x8e: {  	s26 =	sadd.s32 $0x100, s26;
	s28 =	sadd.s32 s28, s25  }
0x8f: {  	[hbm4b:s28+s4] =	stream.linear.scatter [tilespmem:s23], [sflag:s22], $0x80, $0x38;
	[tilespmem:$0x1E700] =	vst v63  }
0x90: {  	s19 =	sor.u32 s19, s7  }
0x91: {  	s31 =	sshrl.u32 s19, $0x3  }
0x92: {  	s19 =	sor.u32 $0x4, s20;
	s20 =	sadd.s32 s31, s8  }
0x93: {  	s22 =	simm.s32 $0x80;
	s23 =	sadd.s32 $0x100, s21;
	s24 =	sadd.s32 $0x0, s20  }
.LBB2_14:
0x94: {  	[hbm4b:s24+s4] =	stream.linear.scatter [tilespmem:s21], [sflag:s19], $0x80, $0x38;
	[tilespmem:$0x1E700] =	vst v63  }
0x95: {  	s24 =	smov.u32 s22;
	s21 =	smov.u32 s23;
	p2 =	seq.s32 s22, $0xF80  }
.Ltmp5:
0x96: {  	s22 =	sadd.s32 $0x80, s22;
	(pc) =	sbr.rel @!p2 .LBB2_14-.Ltmp5, $2  }
0x97: {  	_ =	sdelay $0x2  }
0x98: {  	s23 =	sadd.s32 $0x100, s23;
	s24 =	sadd.s32 s24, s20  }
0x99: {  	[hbm4b:s24+s4] =	stream.linear.scatter [tilespmem:s21], [sflag:s19], $0x80, $0x38;
	[tilespmem:$0x1E700] =	vst v63  }
0x9a: {  	p2 =	seq.s32 s18, $0xC8  }
.Ltmp6:
0x9b: {  	_ = 	snop;
	(pc) =	sbr.rel @!p2 .LBB2_5-.Ltmp6, $2  }
0x9c: {  	_ =	sdelay $0x2  }
0x9d: {  	p0 =	por !p0, !p0;
	p1 =	por !p1, !p1;
	s19 =	smov.u32 s18  }
0x9e: {  	_ =	swait.ge [sflag:s13], $0x1000  }
0x9f: {  	[sflag:s13] =	ssyncset.done $0x0  }
0xa0: {  	[sflag:s13] =	ssyncadd.s32 $0xFFFFF000  }
0xa1: {  	_ =	swait.ge [sflag:s14], $0x1000  }
0xa2: {  	[sflag:s14] =	ssyncset.done $0x0  }
0xa3: {  	s17 =	sadd.s32 $0x1, s17;
	[sflag:s14] =	ssyncadd.s32 $0xFFFFF000  }
0xa4: {  	p0 =	sne.s32 s17, s9;
	_ =	swait.ge [sflag:s15], $0x1000  }
.Ltmp7:
0xa5: {  	[sflag:s15] =	ssyncset.done $0x0;
	(pc) =	sbr.rel @p0 .LBB2_1-.Ltmp7, $4  }
0xa6: {  	[sflag:s15] =	ssyncadd.s32 $0xFFFFF000  }
0xa7: {  	_ =	swait.ge [sflag:s16], $0x1000  }
0xa8: {  	[sflag:s16] =	ssyncset.done $0x0  }
0xa9: {  	[sflag:s16] =	ssyncadd.s32 $0xFFFFF000  }
0xaa: {  	_ =	sfence.sel $0x180000  }
0xab: {  	[bflag:$0x0] =	sbarrier.arrive $0xFFFF  }
0xac: {  	p0 =	sne.s32 s0, $0x0;
	_ =	strace $0x90000047  }
0xad: {  	s0 =	sadd.s32 @!p0 $0x100000, s3;
	[bflag:$0x2] =	sbarrier.arrive $0xFFFF  }
0xae: {  	[sflag:s0] =	ssyncadd.tile.s32 @!p0 $0x1;
	_ =	shalt  }
.Lfunc_end2:
_tile_overlayer_lowered:
.L_overlay_start_2:
0xaf: {  	(tag) =	ssettag $0x2  }
0xb0: {  	s0 =	rddreg [dreg:$0x0];
	s2 =	stileid.u32  }
0xb1: {  	s1 =	rddreg [dreg:$0x1];
	p0 =	sne.s32 s2, $0x0  }
0xb2: {  	s3 =	rddreg [dreg:$0x2];
	[bflag:$0x3] =	sbarrier.arrive $0xFFFF;
	s2 =	simm.s32 @!p0 $0x1C07  }
0xb3: {  	[timem:s3], [sflag:s2] =	dma.local @!p0 [hbm:s0], s1  }
0xb4: {  	s0 =	simm.s32 @!p0 $0x7  }
0xb5: {  	_ =	swait.ge @!p0 [sflag:s0], s1  }
0xb6: {  	s1 =	ssub.s32 @!p0 $0x0, s1;
	[sflag:s0] =	ssyncset.done @!p0 $0x0  }
0xb7: {  	[sflag:s0] =	ssyncadd.s32 @!p0 s1  }
0xb8: {  	[bflag:$0x3] =	sbarrier.arrive $0xFFFF  }
0xb9: {  	_ =	shalt  }

</sc_bundles>
